<compile_context>
chip_gen: v7x
topology: tpu7x:2x2x1
jax: 0.10.2.dev20260603
libtpu: 0.0.44.dev20260713+nightly
codegen_flags: <defaults>
</compile_context>

<pallas_src>
import functools

import jax
import jax.numpy as jnp
from jax import lax
from jax.experimental import pallas as pl
from jax.experimental.pallas import tpu as pltpu
from jax.experimental.pallas import tpu_sc as plsc

VOCAB = 100000
DIM = 128
BATCH = 4096
SEQ = 50
NC = 2
NS = 16
NW = NC * NS
COLS_PER_W = BATCH // NW
CH = 1
NCHUNK = SEQ // CH
NBUF = 7
PF = 4

NSTEADY = (NCHUNK - PF - NBUF) // NBUF
TAIL0 = NBUF + NSTEADY * NBUF

assert PF >= 1 and PF <= NBUF - 2 and NSTEADY >= 1


def _emb_body(idx_hbm, table_hbm, out_hbm, idx_v, *rest):
  bufs = list(rest[:NBUF])
  gsem = list(rest[NBUF:2 * NBUF])
  wsem = list(rest[2 * NBUF:])
  wid = lax.axis_index("s") * NC + lax.axis_index("c")
  col0 = wid * COLS_PER_W
  pltpu.sync_copy(idx_hbm.at[:, pl.ds(col0, COLS_PER_W)], idx_v)

  def start_gather(j, b):
    for i in range(CH):
      pltpu.async_copy(
          table_hbm.at[idx_v.at[j * CH + i]], bufs[b].at[i], gsem[b])

  def wait_gather(j, b):
    for i in range(CH):
      pltpu.make_async_copy(
          table_hbm.at[idx_v.at[j * CH + i]], bufs[b].at[i], gsem[b]).wait()

  def start_write(j, b):
    pltpu.async_copy(
        bufs[b], out_hbm.at[pl.ds(j * CH, CH), pl.ds(col0, COLS_PER_W)],
        wsem[b])

  def wait_write(j, b):
    pltpu.make_async_copy(
        bufs[b], out_hbm.at[pl.ds(j * CH, CH), pl.ds(col0, COLS_PER_W)],
        wsem[b]).wait()

  def visit(j, b, pf_wait, pf_gather):
    if pf_gather:
      bf = (b + PF) % NBUF
      if pf_wait:
        wait_write(j + PF - NBUF, bf)
      start_gather(j + PF, bf)
    wait_gather(j, b)
    start_write(j, b)

  for jf in range(PF):
    start_gather(jf, jf % NBUF)
  for b in range(NBUF):
    visit(b, b, pf_wait=(b + PF >= NBUF), pf_gather=True)

  def group(i, _):
    g = i * NBUF
    for b in range(NBUF):
      visit(g + b, b, pf_wait=True, pf_gather=True)
    return 0

  lax.fori_loop(1, 1 + NSTEADY, group, 0)

  for j in range(TAIL0, NCHUNK):
    visit(j, j % NBUF, pf_wait=True, pf_gather=(j + PF < NCHUNK))
  for j in range(NCHUNK - NBUF, NCHUNK):
    wait_write(j, j % NBUF)


@jax.jit
def _embed(idx_t, table):
  mesh = plsc.VectorSubcoreMesh(core_axis_name="c", subcore_axis_name="s")
  k = functools.partial(
      pl.kernel,
      mesh=mesh,
      out_type=jax.ShapeDtypeStruct((SEQ, BATCH, DIM), jnp.float32),
      scratch_types=(
          [pltpu.VMEM((SEQ, COLS_PER_W), jnp.int32)]
          + [pltpu.VMEM((CH, COLS_PER_W, DIM), jnp.float32)] * NBUF
          + [pltpu.SemaphoreType.DMA] * (2 * NBUF)
      ),
  )(_emb_body)
  return k(idx_t, table)


def kernel(x, embed_weight):
  idx_t = jnp.swapaxes(x.astype(jnp.int32), 0, 1)
  out_t = _embed(idx_t, embed_weight)
  return jnp.transpose(out_t, (1, 0, 2))

# --- scband reference (transcript-rebuilt; emitter-appended) ---
"""Pipeline reference for scband-embedder-15066745274466 (READ-ONLY COPY).

The authoritative reference and input builder live on the scoring server;
editing this copy changes nothing except your own understanding.
"""

import jax, jax.numpy as jnp
import numpy as np

VOCAB = 100000
DIM = 128

def setup_inputs(seed: int = 0) -> dict:
    key = jax.random.key(seed)
    k_idx, k_w = jax.random.split(key)
    x = jax.random.randint(k_idx, (4096, 50), 0, VOCAB, dtype=jnp.int64 if jax.config.jax_enable_x64 else jnp.int32)
    embed_weight = jax.random.normal(k_w, (VOCAB, DIM), dtype=jnp.float32)
    return {"x": x, "embed_weight": embed_weight}

def reference(x, embed_weight):
    # Faithful translation of nn.Embedding forward: table gather by index.
    idx = x.astype(jnp.int32)
    return jnp.take(embed_weight, idx, axis=0)

if __name__ == "__main__":
    import jax
    _d = setup_inputs()
    print(jax.jit(kernel)(*tuple(_d.values())))

</pallas_src>

<mosaic_0001>
#map = affine_map<(d0, d1) -> (0, 0)>
#map1 = affine_map<(d0, d1) -> (0, 0, 0)>
module attributes {stable_mosaic.version = 14 : i64} {
  func.func @_emb_body(%arg0: i32, %arg1: i32, %arg2: memref<50x4096xi32, #tpu.memory_space<hbm>>, %arg3: memref<100000x128xf32, #tpu.memory_space<hbm>>, %arg4: memref<50x4096x128xf32, #tpu.memory_space<hbm>>, %arg5: memref<50x128xi32, #tpu.memory_space<vmem>>, %arg6: memref<1x128x128xf32, #tpu.memory_space<vmem>>, %arg7: memref<1x128x128xf32, #tpu.memory_space<vmem>>, %arg8: memref<1x128x128xf32, #tpu.memory_space<vmem>>, %arg9: memref<1x128x128xf32, #tpu.memory_space<vmem>>, %arg10: memref<1x128x128xf32, #tpu.memory_space<vmem>>, %arg11: memref<1x128x128xf32, #tpu.memory_space<vmem>>, %arg12: memref<1x128x128xf32, #tpu.memory_space<vmem>>, %arg13: memref<!tpu.dma_semaphore, #tpu.memory_space<semaphore_mem>>, %arg14: memref<!tpu.dma_semaphore, #tpu.memory_space<semaphore_mem>>, %arg15: memref<!tpu.dma_semaphore, #tpu.memory_space<semaphore_mem>>, %arg16: memref<!tpu.dma_semaphore, #tpu.memory_space<semaphore_mem>>, %arg17: memref<!tpu.dma_semaphore, #tpu.memory_space<semaphore_mem>>, %arg18: memref<!tpu.dma_semaphore, #tpu.memory_space<semaphore_mem>>, %arg19: memref<!tpu.dma_semaphore, #tpu.memory_space<semaphore_mem>>, %arg20: memref<!tpu.dma_semaphore, #tpu.memory_space<semaphore_mem>>, %arg21: memref<!tpu.dma_semaphore, #tpu.memory_space<semaphore_mem>>, %arg22: memref<!tpu.dma_semaphore, #tpu.memory_space<semaphore_mem>>, %arg23: memref<!tpu.dma_semaphore, #tpu.memory_space<semaphore_mem>>, %arg24: memref<!tpu.dma_semaphore, #tpu.memory_space<semaphore_mem>>, %arg25: memref<!tpu.dma_semaphore, #tpu.memory_space<semaphore_mem>>, %arg26: memref<!tpu.dma_semaphore, #tpu.memory_space<semaphore_mem>>) attributes {dimension_semantics = [#tpu.dimension_semantics<core_parallel>, #tpu.dimension_semantics<subcore_parallel>], iteration_bounds = array<i64: 2, 16>, scalar_prefetch = 0 : i64, scratch_operands = 22 : i64, tpu.core_type = #tpu.core_type<sc_vector_subcore>, window_params = [{transform_indices = #map}, {transform_indices = #map}, {transform_indices = #map1}]} {
    %mul3A = arith.constant 2 : i32
    %mul3A_0 = arith.muli %arg1, %mul3A : i32
    %add3A = arith.addi %mul3A_0, %arg0 : i32
    %mul3A_1 = arith.constant 128 : i32
    %mul3A_2 = arith.muli %add3A, %mul3A_1 : i32
    "tpu.region"() ({
      %run_scoped3A = tpu.sem_alloc : memref<!tpu.dma_semaphore, #tpu.memory_space<semaphore_mem>>
      %dma_start3A_547 = arith.constant 0 : i32
      %dma_start3A_548 = tpu.memref_slice %arg2[%dma_start3A_547, %mul3A_2] : memref<50x4096xi32, #tpu.memory_space<hbm>> -> memref<50x128xi32, #tpu.memory_space<hbm>>
      %dma_start3A_549 = arith.constant 0 : i32
      %dma_start3A_550 = tpu.memref_slice %arg2[%dma_start3A_549, %mul3A_2] : memref<50x4096xi32, #tpu.memory_space<hbm>> -> memref<50x128xi32, #tpu.memory_space<hbm>>
      tpu.enqueue_dma source(%dma_start3A_550 : memref<50x128xi32, #tpu.memory_space<hbm>>) target(%arg5 : memref<50x128xi32, #tpu.memory_space<vmem>>) target_semaphore(%run_scoped3A : memref<!tpu.dma_semaphore, #tpu.memory_space<semaphore_mem>>)
      %dma_wait3A_551 = arith.constant 0 : i32
      %dma_wait3A_552 = tpu.memref_slice %arg2[%dma_wait3A_551, %mul3A_2] : memref<50x4096xi32, #tpu.memory_space<hbm>> -> memref<50x128xi32, #tpu.memory_space<hbm>>
      %dma_wait3A_553 = arith.constant 0 : i32
      %dma_wait3A_554 = tpu.memref_slice %arg2[%dma_wait3A_553, %mul3A_2] : memref<50x4096xi32, #tpu.memory_space<hbm>> -> memref<50x128xi32, #tpu.memory_space<hbm>>
      tpu.wait_dma2 semaphore(%run_scoped3A : memref<!tpu.dma_semaphore, #tpu.memory_space<semaphore_mem>>) src(%dma_wait3A_554 : memref<50x128xi32, #tpu.memory_space<hbm>>) dst(%arg5 : memref<50x128xi32, #tpu.memory_space<vmem>>)
      tpu.yield
    }) : () -> ()
    %dma_start3A = arith.constant 0 : i32
    %dma_start3A_3 = arith.constant 0 : i32
    %dma_start3A_4 = arith.constant 0 : i32
    %dma_start3A_5 = arith.constant 0 : i32
    %dma_start3A_6 = tpu.memref_slice %arg6[%dma_start3A_3, %dma_start3A_4, %dma_start3A_5] : memref<1x128x128xf32, #tpu.memory_space<vmem>> -> memref<1x128x128xf32, #tpu.memory_space<vmem>>
    %dma_start3A_7 = tpu.memref_squeeze %dma_start3A_6 : memref<1x128x128xf32, #tpu.memory_space<vmem>> -> memref<128x128xf32, #tpu.memory_space<vmem>>
    %dma_start3A_8 = arith.constant 0 : i32
    %dma_start3A_9 = tpu.memref_slice %arg5[%dma_start3A, %dma_start3A_8] : memref<50x128xi32, #tpu.memory_space<vmem>> -> memref<1x128xi32, #tpu.memory_space<vmem>>
    %dma_start3A_10 = tpu.memref_squeeze %dma_start3A_9 : memref<1x128xi32, #tpu.memory_space<vmem>> -> memref<128xi32, #tpu.memory_space<vmem>>
    %dma_start3A_11 = arith.constant 0 : i32
    %dma_start3A_12 = arith.constant 0 : i32
    %dma_start3A_13 = tpu.memref_slice %arg3[%dma_start3A_11, %dma_start3A_12] : memref<100000x128xf32, #tpu.memory_space<hbm>> -> memref<100000x128xf32, #tpu.memory_space<hbm>>
    tpu.enqueue_indirect_dma source(%dma_start3A_13 : memref<100000x128xf32, #tpu.memory_space<hbm>>) target(%dma_start3A_7 : memref<128x128xf32, #tpu.memory_space<vmem>>) offsets(%dma_start3A_10 : memref<128xi32, #tpu.memory_space<vmem>>) semaphore(%arg13 : memref<!tpu.dma_semaphore, #tpu.memory_space<semaphore_mem>>)
    %dma_start3A_14 = arith.constant 1 : i32
    %dma_start3A_15 = arith.constant 0 : i32
    %dma_start3A_16 = arith.constant 0 : i32
    %dma_start3A_17 = arith.constant 0 : i32
    %dma_start3A_18 = tpu.memref_slice %arg7[%dma_start3A_15, %dma_start3A_16, %dma_start3A_17] : memref<1x128x128xf32, #tpu.memory_space<vmem>> -> memref<1x128x128xf32, #tpu.memory_space<vmem>>
    %dma_start3A_19 = tpu.memref_squeeze %dma_start3A_18 : memref<1x128x128xf32, #tpu.memory_space<vmem>> -> memref<128x128xf32, #tpu.memory_space<vmem>>
    %dma_start3A_20 = arith.constant 0 : i32
    %dma_start3A_21 = tpu.memref_slice %arg5[%dma_start3A_14, %dma_start3A_20] : memref<50x128xi32, #tpu.memory_space<vmem>> -> memref<1x128xi32, #tpu.memory_space<vmem>>
    %dma_start3A_22 = tpu.memref_squeeze %dma_start3A_21 : memref<1x128xi32, #tpu.memory_space<vmem>> -> memref<128xi32, #tpu.memory_space<vmem>>
    %dma_start3A_23 = arith.constant 0 : i32
    %dma_start3A_24 = arith.constant 0 : i32
    %dma_start3A_25 = tpu.memref_slice %arg3[%dma_start3A_23, %dma_start3A_24] : memref<100000x128xf32, #tpu.memory_space<hbm>> -> memref<100000x128xf32, #tpu.memory_space<hbm>>
    tpu.enqueue_indirect_dma source(%dma_start3A_25 : memref<100000x128xf32, #tpu.memory_space<hbm>>) target(%dma_start3A_19 : memref<128x128xf32, #tpu.memory_space<vmem>>) offsets(%dma_start3A_22 : memref<128xi32, #tpu.memory_space<vmem>>) semaphore(%arg14 : memref<!tpu.dma_semaphore, #tpu.memory_space<semaphore_mem>>)
    %dma_start3A_26 = arith.constant 2 : i32
    %dma_start3A_27 = arith.constant 0 : i32
    %dma_start3A_28 = arith.constant 0 : i32
    %dma_start3A_29 = arith.constant 0 : i32
    %dma_start3A_30 = tpu.memref_slice %arg8[%dma_start3A_27, %dma_start3A_28, %dma_start3A_29] : memref<1x128x128xf32, #tpu.memory_space<vmem>> -> memref<1x128x128xf32, #tpu.memory_space<vmem>>
    %dma_start3A_31 = tpu.memref_squeeze %dma_start3A_30 : memref<1x128x128xf32, #tpu.memory_space<vmem>> -> memref<128x128xf32, #tpu.memory_space<vmem>>
    %dma_start3A_32 = arith.constant 0 : i32
    %dma_start3A_33 = tpu.memref_slice %arg5[%dma_start3A_26, %dma_start3A_32] : memref<50x128xi32, #tpu.memory_space<vmem>> -> memref<1x128xi32, #tpu.memory_space<vmem>>
    %dma_start3A_34 = tpu.memref_squeeze %dma_start3A_33 : memref<1x128xi32, #tpu.memory_space<vmem>> -> memref<128xi32, #tpu.memory_space<vmem>>
    %dma_start3A_35 = arith.constant 0 : i32
    %dma_start3A_36 = arith.constant 0 : i32
    %dma_start3A_37 = tpu.memref_slice %arg3[%dma_start3A_35, %dma_start3A_36] : memref<100000x128xf32, #tpu.memory_space<hbm>> -> memref<100000x128xf32, #tpu.memory_space<hbm>>
    tpu.enqueue_indirect_dma source(%dma_start3A_37 : memref<100000x128xf32, #tpu.memory_space<hbm>>) target(%dma_start3A_31 : memref<128x128xf32, #tpu.memory_space<vmem>>) offsets(%dma_start3A_34 : memref<128xi32, #tpu.memory_space<vmem>>) semaphore(%arg15 : memref<!tpu.dma_semaphore, #tpu.memory_space<semaphore_mem>>)
    %dma_start3A_38 = arith.constant 3 : i32
    %dma_start3A_39 = arith.constant 0 : i32
    %dma_start3A_40 = arith.constant 0 : i32
    %dma_start3A_41 = arith.constant 0 : i32
    %dma_start3A_42 = tpu.memref_slice %arg9[%dma_start3A_39, %dma_start3A_40, %dma_start3A_41] : memref<1x128x128xf32, #tpu.memory_space<vmem>> -> memref<1x128x128xf32, #tpu.memory_space<vmem>>
    %dma_start3A_43 = tpu.memref_squeeze %dma_start3A_42 : memref<1x128x128xf32, #tpu.memory_space<vmem>> -> memref<128x128xf32, #tpu.memory_space<vmem>>
    %dma_start3A_44 = arith.constant 0 : i32
    %dma_start3A_45 = tpu.memref_slice %arg5[%dma_start3A_38, %dma_start3A_44] : memref<50x128xi32, #tpu.memory_space<vmem>> -> memref<1x128xi32, #tpu.memory_space<vmem>>
    %dma_start3A_46 = tpu.memref_squeeze %dma_start3A_45 : memref<1x128xi32, #tpu.memory_space<vmem>> -> memref<128xi32, #tpu.memory_space<vmem>>
    %dma_start3A_47 = arith.constant 0 : i32
    %dma_start3A_48 = arith.constant 0 : i32
    %dma_start3A_49 = tpu.memref_slice %arg3[%dma_start3A_47, %dma_start3A_48] : memref<100000x128xf32, #tpu.memory_space<hbm>> -> memref<100000x128xf32, #tpu.memory_space<hbm>>
    tpu.enqueue_indirect_dma source(%dma_start3A_49 : memref<100000x128xf32, #tpu.memory_space<hbm>>) target(%dma_start3A_43 : memref<128x128xf32, #tpu.memory_space<vmem>>) offsets(%dma_start3A_46 : memref<128xi32, #tpu.memory_space<vmem>>) semaphore(%arg16 : memref<!tpu.dma_semaphore, #tpu.memory_space<semaphore_mem>>)
    %dma_start3A_50 = arith.constant 4 : i32
    %dma_start3A_51 = arith.constant 0 : i32
    %dma_start3A_52 = arith.constant 0 : i32
    %dma_start3A_53 = arith.constant 0 : i32
    %dma_start3A_54 = tpu.memref_slice %arg10[%dma_start3A_51, %dma_start3A_52, %dma_start3A_53] : memref<1x128x128xf32, #tpu.memory_space<vmem>> -> memref<1x128x128xf32, #tpu.memory_space<vmem>>
    %dma_start3A_55 = tpu.memref_squeeze %dma_start3A_54 : memref<1x128x128xf32, #tpu.memory_space<vmem>> -> memref<128x128xf32, #tpu.memory_space<vmem>>
    %dma_start3A_56 = arith.constant 0 : i32
    %dma_start3A_57 = tpu.memref_slice %arg5[%dma_start3A_50, %dma_start3A_56] : memref<50x128xi32, #tpu.memory_space<vmem>> -> memref<1x128xi32, #tpu.memory_space<vmem>>
    %dma_start3A_58 = tpu.memref_squeeze %dma_start3A_57 : memref<1x128xi32, #tpu.memory_space<vmem>> -> memref<128xi32, #tpu.memory_space<vmem>>
    %dma_start3A_59 = arith.constant 0 : i32
    %dma_start3A_60 = arith.constant 0 : i32
    %dma_start3A_61 = tpu.memref_slice %arg3[%dma_start3A_59, %dma_start3A_60] : memref<100000x128xf32, #tpu.memory_space<hbm>> -> memref<100000x128xf32, #tpu.memory_space<hbm>>
    tpu.enqueue_indirect_dma source(%dma_start3A_61 : memref<100000x128xf32, #tpu.memory_space<hbm>>) target(%dma_start3A_55 : memref<128x128xf32, #tpu.memory_space<vmem>>) offsets(%dma_start3A_58 : memref<128xi32, #tpu.memory_space<vmem>>) semaphore(%arg17 : memref<!tpu.dma_semaphore, #tpu.memory_space<semaphore_mem>>)
    %dma_wait3A = arith.constant 0 : i32
    %dma_wait3A_62 = arith.constant 0 : i32
    %dma_wait3A_63 = arith.constant 0 : i32
    %dma_wait3A_64 = arith.constant 0 : i32
    %dma_wait3A_65 = tpu.memref_slice %arg6[%dma_wait3A_62, %dma_wait3A_63, %dma_wait3A_64] : memref<1x128x128xf32, #tpu.memory_space<vmem>> -> memref<1x128x128xf32, #tpu.memory_space<vmem>>
    %dma_wait3A_66 = tpu.memref_squeeze %dma_wait3A_65 : memref<1x128x128xf32, #tpu.memory_space<vmem>> -> memref<128x128xf32, #tpu.memory_space<vmem>>
    %dma_wait3A_67 = arith.constant 0 : i32
    %dma_wait3A_68 = tpu.memref_slice %arg5[%dma_wait3A, %dma_wait3A_67] : memref<50x128xi32, #tpu.memory_space<vmem>> -> memref<1x128xi32, #tpu.memory_space<vmem>>
    %dma_wait3A_69 = tpu.memref_squeeze %dma_wait3A_68 : memref<1x128xi32, #tpu.memory_space<vmem>> -> memref<128xi32, #tpu.memory_space<vmem>>
    %dma_wait3A_70 = arith.constant 0 : i32
    %dma_wait3A_71 = arith.constant 0 : i32
    %dma_wait3A_72 = tpu.memref_slice %arg3[%dma_wait3A_70, %dma_wait3A_71] : memref<100000x128xf32, #tpu.memory_space<hbm>> -> memref<100000x128xf32, #tpu.memory_space<hbm>>
    tpu.wait_indirect_dma semaphore(%arg13 : memref<!tpu.dma_semaphore, #tpu.memory_space<semaphore_mem>>) src(%dma_wait3A_72 : memref<100000x128xf32, #tpu.memory_space<hbm>>) dst(%dma_wait3A_66 : memref<128x128xf32, #tpu.memory_space<vmem>>)
    %dma_start3A_73 = arith.constant 0 : i32
    %dma_start3A_74 = arith.constant 0 : i32
    %dma_start3A_75 = tpu.memref_slice %arg4[%dma_start3A_73, %mul3A_2, %dma_start3A_74] : memref<50x4096x128xf32, #tpu.memory_space<hbm>> -> memref<1x128x128xf32, #tpu.memory_space<hbm>>
    %dma_start3A_76 = arith.constant 0 : i32
    %dma_start3A_77 = arith.constant 0 : i32
    %dma_start3A_78 = tpu.memref_slice %arg4[%dma_start3A_76, %mul3A_2, %dma_start3A_77] : memref<50x4096x128xf32, #tpu.memory_space<hbm>> -> memref<1x128x128xf32, #tpu.memory_space<hbm>>
    tpu.enqueue_dma source(%arg6 : memref<1x128x128xf32, #tpu.memory_space<vmem>>) target(%dma_start3A_78 : memref<1x128x128xf32, #tpu.memory_space<hbm>>) target_semaphore(%arg20 : memref<!tpu.dma_semaphore, #tpu.memory_space<semaphore_mem>>)
    %dma_start3A_79 = arith.constant 5 : i32
    %dma_start3A_80 = arith.constant 0 : i32
    %dma_start3A_81 = arith.constant 0 : i32
    %dma_start3A_82 = arith.constant 0 : i32
    %dma_start3A_83 = tpu.memref_slice %arg11[%dma_start3A_80, %dma_start3A_81, %dma_start3A_82] : memref<1x128x128xf32, #tpu.memory_space<vmem>> -> memref<1x128x128xf32, #tpu.memory_space<vmem>>
    %dma_start3A_84 = tpu.memref_squeeze %dma_start3A_83 : memref<1x128x128xf32, #tpu.memory_space<vmem>> -> memref<128x128xf32, #tpu.memory_space<vmem>>
    %dma_start3A_85 = arith.constant 0 : i32
    %dma_start3A_86 = tpu.memref_slice %arg5[%dma_start3A_79, %dma_start3A_85] : memref<50x128xi32, #tpu.memory_space<vmem>> -> memref<1x128xi32, #tpu.memory_space<vmem>>
    %dma_start3A_87 = tpu.memref_squeeze %dma_start3A_86 : memref<1x128xi32, #tpu.memory_space<vmem>> -> memref<128xi32, #tpu.memory_space<vmem>>
    %dma_start3A_88 = arith.constant 0 : i32
    %dma_start3A_89 = arith.constant 0 : i32
    %dma_start3A_90 = tpu.memref_slice %arg3[%dma_start3A_88, %dma_start3A_89] : memref<100000x128xf32, #tpu.memory_space<hbm>> -> memref<100000x128xf32, #tpu.memory_space<hbm>>
    tpu.enqueue_indirect_dma source(%dma_start3A_90 : memref<100000x128xf32, #tpu.memory_space<hbm>>) target(%dma_start3A_84 : memref<128x128xf32, #tpu.memory_space<vmem>>) offsets(%dma_start3A_87 : memref<128xi32, #tpu.memory_space<vmem>>) semaphore(%arg18 : memref<!tpu.dma_semaphore, #tpu.memory_space<semaphore_mem>>)
    %dma_wait3A_91 = arith.constant 1 : i32
    %dma_wait3A_92 = arith.constant 0 : i32
    %dma_wait3A_93 = arith.constant 0 : i32
    %dma_wait3A_94 = arith.constant 0 : i32
    %dma_wait3A_95 = tpu.memref_slice %arg7[%dma_wait3A_92, %dma_wait3A_93, %dma_wait3A_94] : memref<1x128x128xf32, #tpu.memory_space<vmem>> -> memref<1x128x128xf32, #tpu.memory_space<vmem>>
    %dma_wait3A_96 = tpu.memref_squeeze %dma_wait3A_95 : memref<1x128x128xf32, #tpu.memory_space<vmem>> -> memref<128x128xf32, #tpu.memory_space<vmem>>
    %dma_wait3A_97 = arith.constant 0 : i32
    %dma_wait3A_98 = tpu.memref_slice %arg5[%dma_wait3A_91, %dma_wait3A_97] : memref<50x128xi32, #tpu.memory_space<vmem>> -> memref<1x128xi32, #tpu.memory_space<vmem>>
    %dma_wait3A_99 = tpu.memref_squeeze %dma_wait3A_98 : memref<1x128xi32, #tpu.memory_space<vmem>> -> memref<128xi32, #tpu.memory_space<vmem>>
    %dma_wait3A_100 = arith.constant 0 : i32
    %dma_wait3A_101 = arith.constant 0 : i32
    %dma_wait3A_102 = tpu.memref_slice %arg3[%dma_wait3A_100, %dma_wait3A_101] : memref<100000x128xf32, #tpu.memory_space<hbm>> -> memref<100000x128xf32, #tpu.memory_space<hbm>>
    tpu.wait_indirect_dma semaphore(%arg14 : memref<!tpu.dma_semaphore, #tpu.memory_space<semaphore_mem>>) src(%dma_wait3A_102 : memref<100000x128xf32, #tpu.memory_space<hbm>>) dst(%dma_wait3A_96 : memref<128x128xf32, #tpu.memory_space<vmem>>)
    %dma_start3A_103 = arith.constant 1 : i32
    %dma_start3A_104 = arith.constant 0 : i32
    %dma_start3A_105 = tpu.memref_slice %arg4[%dma_start3A_103, %mul3A_2, %dma_start3A_104] : memref<50x4096x128xf32, #tpu.memory_space<hbm>> -> memref<1x128x128xf32, #tpu.memory_space<hbm>>
    %dma_start3A_106 = arith.constant 1 : i32
    %dma_start3A_107 = arith.constant 0 : i32
    %dma_start3A_108 = tpu.memref_slice %arg4[%dma_start3A_106, %mul3A_2, %dma_start3A_107] : memref<50x4096x128xf32, #tpu.memory_space<hbm>> -> memref<1x128x128xf32, #tpu.memory_space<hbm>>
    tpu.enqueue_dma source(%arg7 : memref<1x128x128xf32, #tpu.memory_space<vmem>>) target(%dma_start3A_108 : memref<1x128x128xf32, #tpu.memory_space<hbm>>) target_semaphore(%arg21 : memref<!tpu.dma_semaphore, #tpu.memory_space<semaphore_mem>>)
    %dma_start3A_109 = arith.constant 6 : i32
    %dma_start3A_110 = arith.constant 0 : i32
    %dma_start3A_111 = arith.constant 0 : i32
    %dma_start3A_112 = arith.constant 0 : i32
    %dma_start3A_113 = tpu.memref_slice %arg12[%dma_start3A_110, %dma_start3A_111, %dma_start3A_112] : memref<1x128x128xf32, #tpu.memory_space<vmem>> -> memref<1x128x128xf32, #tpu.memory_space<vmem>>
    %dma_start3A_114 = tpu.memref_squeeze %dma_start3A_113 : memref<1x128x128xf32, #tpu.memory_space<vmem>> -> memref<128x128xf32, #tpu.memory_space<vmem>>
    %dma_start3A_115 = arith.constant 0 : i32
    %dma_start3A_116 = tpu.memref_slice %arg5[%dma_start3A_109, %dma_start3A_115] : memref<50x128xi32, #tpu.memory_space<vmem>> -> memref<1x128xi32, #tpu.memory_space<vmem>>
    %dma_start3A_117 = tpu.memref_squeeze %dma_start3A_116 : memref<1x128xi32, #tpu.memory_space<vmem>> -> memref<128xi32, #tpu.memory_space<vmem>>
    %dma_start3A_118 = arith.constant 0 : i32
    %dma_start3A_119 = arith.constant 0 : i32
    %dma_start3A_120 = tpu.memref_slice %arg3[%dma_start3A_118, %dma_start3A_119] : memref<100000x128xf32, #tpu.memory_space<hbm>> -> memref<100000x128xf32, #tpu.memory_space<hbm>>
    tpu.enqueue_indirect_dma source(%dma_start3A_120 : memref<100000x128xf32, #tpu.memory_space<hbm>>) target(%dma_start3A_114 : memref<128x128xf32, #tpu.memory_space<vmem>>) offsets(%dma_start3A_117 : memref<128xi32, #tpu.memory_space<vmem>>) semaphore(%arg19 : memref<!tpu.dma_semaphore, #tpu.memory_space<semaphore_mem>>)
    %dma_wait3A_121 = arith.constant 2 : i32
    %dma_wait3A_122 = arith.constant 0 : i32
    %dma_wait3A_123 = arith.constant 0 : i32
    %dma_wait3A_124 = arith.constant 0 : i32
    %dma_wait3A_125 = tpu.memref_slice %arg8[%dma_wait3A_122, %dma_wait3A_123, %dma_wait3A_124] : memref<1x128x128xf32, #tpu.memory_space<vmem>> -> memref<1x128x128xf32, #tpu.memory_space<vmem>>
    %dma_wait3A_126 = tpu.memref_squeeze %dma_wait3A_125 : memref<1x128x128xf32, #tpu.memory_space<vmem>> -> memref<128x128xf32, #tpu.memory_space<vmem>>
    %dma_wait3A_127 = arith.constant 0 : i32
    %dma_wait3A_128 = tpu.memref_slice %arg5[%dma_wait3A_121, %dma_wait3A_127] : memref<50x128xi32, #tpu.memory_space<vmem>> -> memref<1x128xi32, #tpu.memory_space<vmem>>
    %dma_wait3A_129 = tpu.memref_squeeze %dma_wait3A_128 : memref<1x128xi32, #tpu.memory_space<vmem>> -> memref<128xi32, #tpu.memory_space<vmem>>
    %dma_wait3A_130 = arith.constant 0 : i32
    %dma_wait3A_131 = arith.constant 0 : i32
    %dma_wait3A_132 = tpu.memref_slice %arg3[%dma_wait3A_130, %dma_wait3A_131] : memref<100000x128xf32, #tpu.memory_space<hbm>> -> memref<100000x128xf32, #tpu.memory_space<hbm>>
    tpu.wait_indirect_dma semaphore(%arg15 : memref<!tpu.dma_semaphore, #tpu.memory_space<semaphore_mem>>) src(%dma_wait3A_132 : memref<100000x128xf32, #tpu.memory_space<hbm>>) dst(%dma_wait3A_126 : memref<128x128xf32, #tpu.memory_space<vmem>>)
    %dma_start3A_133 = arith.constant 2 : i32
    %dma_start3A_134 = arith.constant 0 : i32
    %dma_start3A_135 = tpu.memref_slice %arg4[%dma_start3A_133, %mul3A_2, %dma_start3A_134] : memref<50x4096x128xf32, #tpu.memory_space<hbm>> -> memref<1x128x128xf32, #tpu.memory_space<hbm>>
    %dma_start3A_136 = arith.constant 2 : i32
    %dma_start3A_137 = arith.constant 0 : i32
    %dma_start3A_138 = tpu.memref_slice %arg4[%dma_start3A_136, %mul3A_2, %dma_start3A_137] : memref<50x4096x128xf32, #tpu.memory_space<hbm>> -> memref<1x128x128xf32, #tpu.memory_space<hbm>>
    tpu.enqueue_dma source(%arg8 : memref<1x128x128xf32, #tpu.memory_space<vmem>>) target(%dma_start3A_138 : memref<1x128x128xf32, #tpu.memory_space<hbm>>) target_semaphore(%arg22 : memref<!tpu.dma_semaphore, #tpu.memory_space<semaphore_mem>>)
    %dma_wait3A_139 = arith.constant 0 : i32
    %dma_wait3A_140 = arith.constant 0 : i32
    %dma_wait3A_141 = tpu.memref_slice %arg4[%dma_wait3A_139, %mul3A_2, %dma_wait3A_140] : memref<50x4096x128xf32, #tpu.memory_space<hbm>> -> memref<1x128x128xf32, #tpu.memory_space<hbm>>
    %dma_wait3A_142 = arith.constant 0 : i32
    %dma_wait3A_143 = arith.constant 0 : i32
    %dma_wait3A_144 = tpu.memref_slice %arg4[%dma_wait3A_142, %mul3A_2, %dma_wait3A_143] : memref<50x4096x128xf32, #tpu.memory_space<hbm>> -> memref<1x128x128xf32, #tpu.memory_space<hbm>>
    tpu.wait_dma2 semaphore(%arg20 : memref<!tpu.dma_semaphore, #tpu.memory_space<semaphore_mem>>) src(%arg6 : memref<1x128x128xf32, #tpu.memory_space<vmem>>) dst(%dma_wait3A_144 : memref<1x128x128xf32, #tpu.memory_space<hbm>>)
    %dma_start3A_145 = arith.constant 7 : i32
    %dma_start3A_146 = arith.constant 0 : i32
    %dma_start3A_147 = arith.constant 0 : i32
    %dma_start3A_148 = arith.constant 0 : i32
    %dma_start3A_149 = tpu.memref_slice %arg6[%dma_start3A_146, %dma_start3A_147, %dma_start3A_148] : memref<1x128x128xf32, #tpu.memory_space<vmem>> -> memref<1x128x128xf32, #tpu.memory_space<vmem>>
    %dma_start3A_150 = tpu.memref_squeeze %dma_start3A_149 : memref<1x128x128xf32, #tpu.memory_space<vmem>> -> memref<128x128xf32, #tpu.memory_space<vmem>>
    %dma_start3A_151 = arith.constant 0 : i32
    %dma_start3A_152 = tpu.memref_slice %arg5[%dma_start3A_145, %dma_start3A_151] : memref<50x128xi32, #tpu.memory_space<vmem>> -> memref<1x128xi32, #tpu.memory_space<vmem>>
    %dma_start3A_153 = tpu.memref_squeeze %dma_start3A_152 : memref<1x128xi32, #tpu.memory_space<vmem>> -> memref<128xi32, #tpu.memory_space<vmem>>
    %dma_start3A_154 = arith.constant 0 : i32
    %dma_start3A_155 = arith.constant 0 : i32
    %dma_start3A_156 = tpu.memref_slice %arg3[%dma_start3A_154, %dma_start3A_155] : memref<100000x128xf32, #tpu.memory_space<hbm>> -> memref<100000x128xf32, #tpu.memory_space<hbm>>
    tpu.enqueue_indirect_dma source(%dma_start3A_156 : memref<100000x128xf32, #tpu.memory_space<hbm>>) target(%dma_start3A_150 : memref<128x128xf32, #tpu.memory_space<vmem>>) offsets(%dma_start3A_153 : memref<128xi32, #tpu.memory_space<vmem>>) semaphore(%arg13 : memref<!tpu.dma_semaphore, #tpu.memory_space<semaphore_mem>>)
    %dma_wait3A_157 = arith.constant 3 : i32
    %dma_wait3A_158 = arith.constant 0 : i32
    %dma_wait3A_159 = arith.constant 0 : i32
    %dma_wait3A_160 = arith.constant 0 : i32
    %dma_wait3A_161 = tpu.memref_slice %arg9[%dma_wait3A_158, %dma_wait3A_159, %dma_wait3A_160] : memref<1x128x128xf32, #tpu.memory_space<vmem>> -> memref<1x128x128xf32, #tpu.memory_space<vmem>>
    %dma_wait3A_162 = tpu.memref_squeeze %dma_wait3A_161 : memref<1x128x128xf32, #tpu.memory_space<vmem>> -> memref<128x128xf32, #tpu.memory_space<vmem>>
    %dma_wait3A_163 = arith.constant 0 : i32
    %dma_wait3A_164 = tpu.memref_slice %arg5[%dma_wait3A_157, %dma_wait3A_163] : memref<50x128xi32, #tpu.memory_space<vmem>> -> memref<1x128xi32, #tpu.memory_space<vmem>>
    %dma_wait3A_165 = tpu.memref_squeeze %dma_wait3A_164 : memref<1x128xi32, #tpu.memory_space<vmem>> -> memref<128xi32, #tpu.memory_space<vmem>>
    %dma_wait3A_166 = arith.constant 0 : i32
    %dma_wait3A_167 = arith.constant 0 : i32
    %dma_wait3A_168 = tpu.memref_slice %arg3[%dma_wait3A_166, %dma_wait3A_167] : memref<100000x128xf32, #tpu.memory_space<hbm>> -> memref<100000x128xf32, #tpu.memory_space<hbm>>
    tpu.wait_indirect_dma semaphore(%arg16 : memref<!tpu.dma_semaphore, #tpu.memory_space<semaphore_mem>>) src(%dma_wait3A_168 : memref<100000x128xf32, #tpu.memory_space<hbm>>) dst(%dma_wait3A_162 : memref<128x128xf32, #tpu.memory_space<vmem>>)
    %dma_start3A_169 = arith.constant 3 : i32
    %dma_start3A_170 = arith.constant 0 : i32
    %dma_start3A_171 = tpu.memref_slice %arg4[%dma_start3A_169, %mul3A_2, %dma_start3A_170] : memref<50x4096x128xf32, #tpu.memory_space<hbm>> -> memref<1x128x128xf32, #tpu.memory_space<hbm>>
    %dma_start3A_172 = arith.constant 3 : i32
    %dma_start3A_173 = arith.constant 0 : i32
    %dma_start3A_174 = tpu.memref_slice %arg4[%dma_start3A_172, %mul3A_2, %dma_start3A_173] : memref<50x4096x128xf32, #tpu.memory_space<hbm>> -> memref<1x128x128xf32, #tpu.memory_space<hbm>>
    tpu.enqueue_dma source(%arg9 : memref<1x128x128xf32, #tpu.memory_space<vmem>>) target(%dma_start3A_174 : memref<1x128x128xf32, #tpu.memory_space<hbm>>) target_semaphore(%arg23 : memref<!tpu.dma_semaphore, #tpu.memory_space<semaphore_mem>>)
    %dma_wait3A_175 = arith.constant 1 : i32
    %dma_wait3A_176 = arith.constant 0 : i32
    %dma_wait3A_177 = tpu.memref_slice %arg4[%dma_wait3A_175, %mul3A_2, %dma_wait3A_176] : memref<50x4096x128xf32, #tpu.memory_space<hbm>> -> memref<1x128x128xf32, #tpu.memory_space<hbm>>
    %dma_wait3A_178 = arith.constant 1 : i32
    %dma_wait3A_179 = arith.constant 0 : i32
    %dma_wait3A_180 = tpu.memref_slice %arg4[%dma_wait3A_178, %mul3A_2, %dma_wait3A_179] : memref<50x4096x128xf32, #tpu.memory_space<hbm>> -> memref<1x128x128xf32, #tpu.memory_space<hbm>>
    tpu.wait_dma2 semaphore(%arg21 : memref<!tpu.dma_semaphore, #tpu.memory_space<semaphore_mem>>) src(%arg7 : memref<1x128x128xf32, #tpu.memory_space<vmem>>) dst(%dma_wait3A_180 : memref<1x128x128xf32, #tpu.memory_space<hbm>>)
    %dma_start3A_181 = arith.constant 8 : i32
    %dma_start3A_182 = arith.constant 0 : i32
    %dma_start3A_183 = arith.constant 0 : i32
    %dma_start3A_184 = arith.constant 0 : i32
    %dma_start3A_185 = tpu.memref_slice %arg7[%dma_start3A_182, %dma_start3A_183, %dma_start3A_184] : memref<1x128x128xf32, #tpu.memory_space<vmem>> -> memref<1x128x128xf32, #tpu.memory_space<vmem>>
    %dma_start3A_186 = tpu.memref_squeeze %dma_start3A_185 : memref<1x128x128xf32, #tpu.memory_space<vmem>> -> memref<128x128xf32, #tpu.memory_space<vmem>>
    %dma_start3A_187 = arith.constant 0 : i32
    %dma_start3A_188 = tpu.memref_slice %arg5[%dma_start3A_181, %dma_start3A_187] : memref<50x128xi32, #tpu.memory_space<vmem>> -> memref<1x128xi32, #tpu.memory_space<vmem>>
    %dma_start3A_189 = tpu.memref_squeeze %dma_start3A_188 : memref<1x128xi32, #tpu.memory_space<vmem>> -> memref<128xi32, #tpu.memory_space<vmem>>
    %dma_start3A_190 = arith.constant 0 : i32
    %dma_start3A_191 = arith.constant 0 : i32
    %dma_start3A_192 = tpu.memref_slice %arg3[%dma_start3A_190, %dma_start3A_191] : memref<100000x128xf32, #tpu.memory_space<hbm>> -> memref<100000x128xf32, #tpu.memory_space<hbm>>
    tpu.enqueue_indirect_dma source(%dma_start3A_192 : memref<100000x128xf32, #tpu.memory_space<hbm>>) target(%dma_start3A_186 : memref<128x128xf32, #tpu.memory_space<vmem>>) offsets(%dma_start3A_189 : memref<128xi32, #tpu.memory_space<vmem>>) semaphore(%arg14 : memref<!tpu.dma_semaphore, #tpu.memory_space<semaphore_mem>>)
    %dma_wait3A_193 = arith.constant 4 : i32
    %dma_wait3A_194 = arith.constant 0 : i32
    %dma_wait3A_195 = arith.constant 0 : i32
    %dma_wait3A_196 = arith.constant 0 : i32
    %dma_wait3A_197 = tpu.memref_slice %arg10[%dma_wait3A_194, %dma_wait3A_195, %dma_wait3A_196] : memref<1x128x128xf32, #tpu.memory_space<vmem>> -> memref<1x128x128xf32, #tpu.memory_space<vmem>>
    %dma_wait3A_198 = tpu.memref_squeeze %dma_wait3A_197 : memref<1x128x128xf32, #tpu.memory_space<vmem>> -> memref<128x128xf32, #tpu.memory_space<vmem>>
    %dma_wait3A_199 = arith.constant 0 : i32
    %dma_wait3A_200 = tpu.memref_slice %arg5[%dma_wait3A_193, %dma_wait3A_199] : memref<50x128xi32, #tpu.memory_space<vmem>> -> memref<1x128xi32, #tpu.memory_space<vmem>>
    %dma_wait3A_201 = tpu.memref_squeeze %dma_wait3A_200 : memref<1x128xi32, #tpu.memory_space<vmem>> -> memref<128xi32, #tpu.memory_space<vmem>>
    %dma_wait3A_202 = arith.constant 0 : i32
    %dma_wait3A_203 = arith.constant 0 : i32
    %dma_wait3A_204 = tpu.memref_slice %arg3[%dma_wait3A_202, %dma_wait3A_203] : memref<100000x128xf32, #tpu.memory_space<hbm>> -> memref<100000x128xf32, #tpu.memory_space<hbm>>
    tpu.wait_indirect_dma semaphore(%arg17 : memref<!tpu.dma_semaphore, #tpu.memory_space<semaphore_mem>>) src(%dma_wait3A_204 : memref<100000x128xf32, #tpu.memory_space<hbm>>) dst(%dma_wait3A_198 : memref<128x128xf32, #tpu.memory_space<vmem>>)
    %dma_start3A_205 = arith.constant 4 : i32
    %dma_start3A_206 = arith.constant 0 : i32
    %dma_start3A_207 = tpu.memref_slice %arg4[%dma_start3A_205, %mul3A_2, %dma_start3A_206] : memref<50x4096x128xf32, #tpu.memory_space<hbm>> -> memref<1x128x128xf32, #tpu.memory_space<hbm>>
    %dma_start3A_208 = arith.constant 4 : i32
    %dma_start3A_209 = arith.constant 0 : i32
    %dma_start3A_210 = tpu.memref_slice %arg4[%dma_start3A_208, %mul3A_2, %dma_start3A_209] : memref<50x4096x128xf32, #tpu.memory_space<hbm>> -> memref<1x128x128xf32, #tpu.memory_space<hbm>>
    tpu.enqueue_dma source(%arg10 : memref<1x128x128xf32, #tpu.memory_space<vmem>>) target(%dma_start3A_210 : memref<1x128x128xf32, #tpu.memory_space<hbm>>) target_semaphore(%arg24 : memref<!tpu.dma_semaphore, #tpu.memory_space<semaphore_mem>>)
    %dma_wait3A_211 = arith.constant 2 : i32
    %dma_wait3A_212 = arith.constant 0 : i32
    %dma_wait3A_213 = tpu.memref_slice %arg4[%dma_wait3A_211, %mul3A_2, %dma_wait3A_212] : memref<50x4096x128xf32, #tpu.memory_space<hbm>> -> memref<1x128x128xf32, #tpu.memory_space<hbm>>
    %dma_wait3A_214 = arith.constant 2 : i32
    %dma_wait3A_215 = arith.constant 0 : i32
    %dma_wait3A_216 = tpu.memref_slice %arg4[%dma_wait3A_214, %mul3A_2, %dma_wait3A_215] : memref<50x4096x128xf32, #tpu.memory_space<hbm>> -> memref<1x128x128xf32, #tpu.memory_space<hbm>>
    tpu.wait_dma2 semaphore(%arg22 : memref<!tpu.dma_semaphore, #tpu.memory_space<semaphore_mem>>) src(%arg8 : memref<1x128x128xf32, #tpu.memory_space<vmem>>) dst(%dma_wait3A_216 : memref<1x128x128xf32, #tpu.memory_space<hbm>>)
    %dma_start3A_217 = arith.constant 9 : i32
    %dma_start3A_218 = arith.constant 0 : i32
    %dma_start3A_219 = arith.constant 0 : i32
    %dma_start3A_220 = arith.constant 0 : i32
    %dma_start3A_221 = tpu.memref_slice %arg8[%dma_start3A_218, %dma_start3A_219, %dma_start3A_220] : memref<1x128x128xf32, #tpu.memory_space<vmem>> -> memref<1x128x128xf32, #tpu.memory_space<vmem>>
    %dma_start3A_222 = tpu.memref_squeeze %dma_start3A_221 : memref<1x128x128xf32, #tpu.memory_space<vmem>> -> memref<128x128xf32, #tpu.memory_space<vmem>>
    %dma_start3A_223 = arith.constant 0 : i32
    %dma_start3A_224 = tpu.memref_slice %arg5[%dma_start3A_217, %dma_start3A_223] : memref<50x128xi32, #tpu.memory_space<vmem>> -> memref<1x128xi32, #tpu.memory_space<vmem>>
    %dma_start3A_225 = tpu.memref_squeeze %dma_start3A_224 : memref<1x128xi32, #tpu.memory_space<vmem>> -> memref<128xi32, #tpu.memory_space<vmem>>
    %dma_start3A_226 = arith.constant 0 : i32
    %dma_start3A_227 = arith.constant 0 : i32
    %dma_start3A_228 = tpu.memref_slice %arg3[%dma_start3A_226, %dma_start3A_227] : memref<100000x128xf32, #tpu.memory_space<hbm>> -> memref<100000x128xf32, #tpu.memory_space<hbm>>
    tpu.enqueue_indirect_dma source(%dma_start3A_228 : memref<100000x128xf32, #tpu.memory_space<hbm>>) target(%dma_start3A_222 : memref<128x128xf32, #tpu.memory_space<vmem>>) offsets(%dma_start3A_225 : memref<128xi32, #tpu.memory_space<vmem>>) semaphore(%arg15 : memref<!tpu.dma_semaphore, #tpu.memory_space<semaphore_mem>>)
    %dma_wait3A_229 = arith.constant 5 : i32
    %dma_wait3A_230 = arith.constant 0 : i32
    %dma_wait3A_231 = arith.constant 0 : i32
    %dma_wait3A_232 = arith.constant 0 : i32
    %dma_wait3A_233 = tpu.memref_slice %arg11[%dma_wait3A_230, %dma_wait3A_231, %dma_wait3A_232] : memref<1x128x128xf32, #tpu.memory_space<vmem>> -> memref<1x128x128xf32, #tpu.memory_space<vmem>>
    %dma_wait3A_234 = tpu.memref_squeeze %dma_wait3A_233 : memref<1x128x128xf32, #tpu.memory_space<vmem>> -> memref<128x128xf32, #tpu.memory_space<vmem>>
    %dma_wait3A_235 = arith.constant 0 : i32
    %dma_wait3A_236 = tpu.memref_slice %arg5[%dma_wait3A_229, %dma_wait3A_235] : memref<50x128xi32, #tpu.memory_space<vmem>> -> memref<1x128xi32, #tpu.memory_space<vmem>>
    %dma_wait3A_237 = tpu.memref_squeeze %dma_wait3A_236 : memref<1x128xi32, #tpu.memory_space<vmem>> -> memref<128xi32, #tpu.memory_space<vmem>>
    %dma_wait3A_238 = arith.constant 0 : i32
    %dma_wait3A_239 = arith.constant 0 : i32
    %dma_wait3A_240 = tpu.memref_slice %arg3[%dma_wait3A_238, %dma_wait3A_239] : memref<100000x128xf32, #tpu.memory_space<hbm>> -> memref<100000x128xf32, #tpu.memory_space<hbm>>
    tpu.wait_indirect_dma semaphore(%arg18 : memref<!tpu.dma_semaphore, #tpu.memory_space<semaphore_mem>>) src(%dma_wait3A_240 : memref<100000x128xf32, #tpu.memory_space<hbm>>) dst(%dma_wait3A_234 : memref<128x128xf32, #tpu.memory_space<vmem>>)
    %dma_start3A_241 = arith.constant 5 : i32
    %dma_start3A_242 = arith.constant 0 : i32
    %dma_start3A_243 = tpu.memref_slice %arg4[%dma_start3A_241, %mul3A_2, %dma_start3A_242] : memref<50x4096x128xf32, #tpu.memory_space<hbm>> -> memref<1x128x128xf32, #tpu.memory_space<hbm>>
    %dma_start3A_244 = arith.constant 5 : i32
    %dma_start3A_245 = arith.constant 0 : i32
    %dma_start3A_246 = tpu.memref_slice %arg4[%dma_start3A_244, %mul3A_2, %dma_start3A_245] : memref<50x4096x128xf32, #tpu.memory_space<hbm>> -> memref<1x128x128xf32, #tpu.memory_space<hbm>>
    tpu.enqueue_dma source(%arg11 : memref<1x128x128xf32, #tpu.memory_space<vmem>>) target(%dma_start3A_246 : memref<1x128x128xf32, #tpu.memory_space<hbm>>) target_semaphore(%arg25 : memref<!tpu.dma_semaphore, #tpu.memory_space<semaphore_mem>>)
    %dma_wait3A_247 = arith.constant 3 : i32
    %dma_wait3A_248 = arith.constant 0 : i32
    %dma_wait3A_249 = tpu.memref_slice %arg4[%dma_wait3A_247, %mul3A_2, %dma_wait3A_248] : memref<50x4096x128xf32, #tpu.memory_space<hbm>> -> memref<1x128x128xf32, #tpu.memory_space<hbm>>
    %dma_wait3A_250 = arith.constant 3 : i32
    %dma_wait3A_251 = arith.constant 0 : i32
    %dma_wait3A_252 = tpu.memref_slice %arg4[%dma_wait3A_250, %mul3A_2, %dma_wait3A_251] : memref<50x4096x128xf32, #tpu.memory_space<hbm>> -> memref<1x128x128xf32, #tpu.memory_space<hbm>>
    tpu.wait_dma2 semaphore(%arg23 : memref<!tpu.dma_semaphore, #tpu.memory_space<semaphore_mem>>) src(%arg9 : memref<1x128x128xf32, #tpu.memory_space<vmem>>) dst(%dma_wait3A_252 : memref<1x128x128xf32, #tpu.memory_space<hbm>>)
    %dma_start3A_253 = arith.constant 10 : i32
    %dma_start3A_254 = arith.constant 0 : i32
    %dma_start3A_255 = arith.constant 0 : i32
    %dma_start3A_256 = arith.constant 0 : i32
    %dma_start3A_257 = tpu.memref_slice %arg9[%dma_start3A_254, %dma_start3A_255, %dma_start3A_256] : memref<1x128x128xf32, #tpu.memory_space<vmem>> -> memref<1x128x128xf32, #tpu.memory_space<vmem>>
    %dma_start3A_258 = tpu.memref_squeeze %dma_start3A_257 : memref<1x128x128xf32, #tpu.memory_space<vmem>> -> memref<128x128xf32, #tpu.memory_space<vmem>>
    %dma_start3A_259 = arith.constant 0 : i32
    %dma_start3A_260 = tpu.memref_slice %arg5[%dma_start3A_253, %dma_start3A_259] : memref<50x128xi32, #tpu.memory_space<vmem>> -> memref<1x128xi32, #tpu.memory_space<vmem>>
    %dma_start3A_261 = tpu.memref_squeeze %dma_start3A_260 : memref<1x128xi32, #tpu.memory_space<vmem>> -> memref<128xi32, #tpu.memory_space<vmem>>
    %dma_start3A_262 = arith.constant 0 : i32
    %dma_start3A_263 = arith.constant 0 : i32
    %dma_start3A_264 = tpu.memref_slice %arg3[%dma_start3A_262, %dma_start3A_263] : memref<100000x128xf32, #tpu.memory_space<hbm>> -> memref<100000x128xf32, #tpu.memory_space<hbm>>
    tpu.enqueue_indirect_dma source(%dma_start3A_264 : memref<100000x128xf32, #tpu.memory_space<hbm>>) target(%dma_start3A_258 : memref<128x128xf32, #tpu.memory_space<vmem>>) offsets(%dma_start3A_261 : memref<128xi32, #tpu.memory_space<vmem>>) semaphore(%arg16 : memref<!tpu.dma_semaphore, #tpu.memory_space<semaphore_mem>>)
    %dma_wait3A_265 = arith.constant 6 : i32
    %dma_wait3A_266 = arith.constant 0 : i32
    %dma_wait3A_267 = arith.constant 0 : i32
    %dma_wait3A_268 = arith.constant 0 : i32
    %dma_wait3A_269 = tpu.memref_slice %arg12[%dma_wait3A_266, %dma_wait3A_267, %dma_wait3A_268] : memref<1x128x128xf32, #tpu.memory_space<vmem>> -> memref<1x128x128xf32, #tpu.memory_space<vmem>>
    %dma_wait3A_270 = tpu.memref_squeeze %dma_wait3A_269 : memref<1x128x128xf32, #tpu.memory_space<vmem>> -> memref<128x128xf32, #tpu.memory_space<vmem>>
    %dma_wait3A_271 = arith.constant 0 : i32
    %dma_wait3A_272 = tpu.memref_slice %arg5[%dma_wait3A_265, %dma_wait3A_271] : memref<50x128xi32, #tpu.memory_space<vmem>> -> memref<1x128xi32, #tpu.memory_space<vmem>>
    %dma_wait3A_273 = tpu.memref_squeeze %dma_wait3A_272 : memref<1x128xi32, #tpu.memory_space<vmem>> -> memref<128xi32, #tpu.memory_space<vmem>>
    %dma_wait3A_274 = arith.constant 0 : i32
    %dma_wait3A_275 = arith.constant 0 : i32
    %dma_wait3A_276 = tpu.memref_slice %arg3[%dma_wait3A_274, %dma_wait3A_275] : memref<100000x128xf32, #tpu.memory_space<hbm>> -> memref<100000x128xf32, #tpu.memory_space<hbm>>
    tpu.wait_indirect_dma semaphore(%arg19 : memref<!tpu.dma_semaphore, #tpu.memory_space<semaphore_mem>>) src(%dma_wait3A_276 : memref<100000x128xf32, #tpu.memory_space<hbm>>) dst(%dma_wait3A_270 : memref<128x128xf32, #tpu.memory_space<vmem>>)
    %dma_start3A_277 = arith.constant 6 : i32
    %dma_start3A_278 = arith.constant 0 : i32
    %dma_start3A_279 = tpu.memref_slice %arg4[%dma_start3A_277, %mul3A_2, %dma_start3A_278] : memref<50x4096x128xf32, #tpu.memory_space<hbm>> -> memref<1x128x128xf32, #tpu.memory_space<hbm>>
    %dma_start3A_280 = arith.constant 6 : i32
    %dma_start3A_281 = arith.constant 0 : i32
    %dma_start3A_282 = tpu.memref_slice %arg4[%dma_start3A_280, %mul3A_2, %dma_start3A_281] : memref<50x4096x128xf32, #tpu.memory_space<hbm>> -> memref<1x128x128xf32, #tpu.memory_space<hbm>>
    tpu.enqueue_dma source(%arg12 : memref<1x128x128xf32, #tpu.memory_space<vmem>>) target(%dma_start3A_282 : memref<1x128x128xf32, #tpu.memory_space<hbm>>) target_semaphore(%arg26 : memref<!tpu.dma_semaphore, #tpu.memory_space<semaphore_mem>>)
    %scan3A = arith.constant 0 : i32
    %scan3A_283 = arith.constant 1 : i32
    %scan3A_284 = arith.constant 5 : i32
    %scan3A_285 = arith.addi %scan3A_283, %scan3A_284 : i32
    %scan3A_286 = arith.constant 1 : i32
    %scan3A_287 = scf.for %scan3A_547 = %scan3A_283 to %scan3A_285 step %scan3A_286 iter_args(%scan3A_548 = %scan3A) -> (i32)  : i32 {
      %mul3A_549 = arith.constant 7 : i32
      %mul3A_550 = arith.muli %scan3A_547, %mul3A_549 : i32
      %add3A_551 = arith.constant 0 : i32
      %add3A_552 = arith.addi %mul3A_550, %add3A_551 : i32
      %add3A_553 = arith.constant 4 : i32
      %add3A_554 = arith.addi %add3A_552, %add3A_553 : i32
      %sub3A = arith.constant 7 : i32
      %sub3A_555 = arith.subi %add3A_554, %sub3A : i32
      %mul3A_556 = arith.constant 1 : i32
      %mul3A_557 = arith.muli %sub3A_555, %mul3A_556 : i32
      %dma_wait3A_558 = arith.constant 0 : i32
      %dma_wait3A_559 = tpu.memref_slice %arg4[%mul3A_557, %mul3A_2, %dma_wait3A_558] : memref<50x4096x128xf32, #tpu.memory_space<hbm>> -> memref<1x128x128xf32, #tpu.memory_space<hbm>>
      %dma_wait3A_560 = arith.constant 0 : i32
      %dma_wait3A_561 = tpu.memref_slice %arg4[%mul3A_557, %mul3A_2, %dma_wait3A_560] : memref<50x4096x128xf32, #tpu.memory_space<hbm>> -> memref<1x128x128xf32, #tpu.memory_space<hbm>>
      tpu.wait_dma2 semaphore(%arg24 : memref<!tpu.dma_semaphore, #tpu.memory_space<semaphore_mem>>) src(%arg10 : memref<1x128x128xf32, #tpu.memory_space<vmem>>) dst(%dma_wait3A_561 : memref<1x128x128xf32, #tpu.memory_space<hbm>>)
      %add3A_562 = arith.constant 4 : i32
      %add3A_563 = arith.addi %add3A_552, %add3A_562 : i32
      %mul3A_564 = arith.constant 1 : i32
      %mul3A_565 = arith.muli %add3A_563, %mul3A_564 : i32
      %add3A_566 = arith.constant 0 : i32
      %add3A_567 = arith.addi %mul3A_565, %add3A_566 : i32
      %dma_start3A_568 = arith.constant 0 : i32
      %dma_start3A_569 = arith.constant 0 : i32
      %dma_start3A_570 = arith.constant 0 : i32
      %dma_start3A_571 = tpu.memref_slice %arg10[%dma_start3A_568, %dma_start3A_569, %dma_start3A_570] : memref<1x128x128xf32, #tpu.memory_space<vmem>> -> memref<1x128x128xf32, #tpu.memory_space<vmem>>
      %dma_start3A_572 = tpu.memref_squeeze %dma_start3A_571 : memref<1x128x128xf32, #tpu.memory_space<vmem>> -> memref<128x128xf32, #tpu.memory_space<vmem>>
      %dma_start3A_573 = arith.constant 0 : i32
      %dma_start3A_574 = tpu.memref_slice %arg5[%add3A_567, %dma_start3A_573] : memref<50x128xi32, #tpu.memory_space<vmem>> -> memref<1x128xi32, #tpu.memory_space<vmem>>
      %dma_start3A_575 = tpu.memref_squeeze %dma_start3A_574 : memref<1x128xi32, #tpu.memory_space<vmem>> -> memref<128xi32, #tpu.memory_space<vmem>>
      %dma_start3A_576 = arith.constant 0 : i32
      %dma_start3A_577 = arith.constant 0 : i32
      %dma_start3A_578 = tpu.memref_slice %arg3[%dma_start3A_576, %dma_start3A_577] : memref<100000x128xf32, #tpu.memory_space<hbm>> -> memref<100000x128xf32, #tpu.memory_space<hbm>>
      tpu.enqueue_indirect_dma source(%dma_start3A_578 : memref<100000x128xf32, #tpu.memory_space<hbm>>) target(%dma_start3A_572 : memref<128x128xf32, #tpu.memory_space<vmem>>) offsets(%dma_start3A_575 : memref<128xi32, #tpu.memory_space<vmem>>) semaphore(%arg17 : memref<!tpu.dma_semaphore, #tpu.memory_space<semaphore_mem>>)
      %mul3A_579 = arith.constant 1 : i32
      %mul3A_580 = arith.muli %add3A_552, %mul3A_579 : i32
      %add3A_581 = arith.constant 0 : i32
      %add3A_582 = arith.addi %mul3A_580, %add3A_581 : i32
      %dma_wait3A_583 = arith.constant 0 : i32
      %dma_wait3A_584 = arith.constant 0 : i32
      %dma_wait3A_585 = arith.constant 0 : i32
      %dma_wait3A_586 = tpu.memref_slice %arg6[%dma_wait3A_583, %dma_wait3A_584, %dma_wait3A_585] : memref<1x128x128xf32, #tpu.memory_space<vmem>> -> memref<1x128x128xf32, #tpu.memory_space<vmem>>
      %dma_wait3A_587 = tpu.memref_squeeze %dma_wait3A_586 : memref<1x128x128xf32, #tpu.memory_space<vmem>> -> memref<128x128xf32, #tpu.memory_space<vmem>>
      %dma_wait3A_588 = arith.constant 0 : i32
      %dma_wait3A_589 = tpu.memref_slice %arg5[%add3A_582, %dma_wait3A_588] : memref<50x128xi32, #tpu.memory_space<vmem>> -> memref<1x128xi32, #tpu.memory_space<vmem>>
      %dma_wait3A_590 = tpu.memref_squeeze %dma_wait3A_589 : memref<1x128xi32, #tpu.memory_space<vmem>> -> memref<128xi32, #tpu.memory_space<vmem>>
      %dma_wait3A_591 = arith.constant 0 : i32
      %dma_wait3A_592 = arith.constant 0 : i32
      %dma_wait3A_593 = tpu.memref_slice %arg3[%dma_wait3A_591, %dma_wait3A_592] : memref<100000x128xf32, #tpu.memory_space<hbm>> -> memref<100000x128xf32, #tpu.memory_space<hbm>>
      tpu.wait_indirect_dma semaphore(%arg13 : memref<!tpu.dma_semaphore, #tpu.memory_space<semaphore_mem>>) src(%dma_wait3A_593 : memref<100000x128xf32, #tpu.memory_space<hbm>>) dst(%dma_wait3A_587 : memref<128x128xf32, #tpu.memory_space<vmem>>)
      %mul3A_594 = arith.constant 1 : i32
      %mul3A_595 = arith.muli %add3A_552, %mul3A_594 : i32
      %dma_start3A_596 = arith.constant 0 : i32
      %dma_start3A_597 = tpu.memref_slice %arg4[%mul3A_595, %mul3A_2, %dma_start3A_596] : memref<50x4096x128xf32, #tpu.memory_space<hbm>> -> memref<1x128x128xf32, #tpu.memory_space<hbm>>
      %dma_start3A_598 = arith.constant 0 : i32
      %dma_start3A_599 = tpu.memref_slice %arg4[%mul3A_595, %mul3A_2, %dma_start3A_598] : memref<50x4096x128xf32, #tpu.memory_space<hbm>> -> memref<1x128x128xf32, #tpu.memory_space<hbm>>
      tpu.enqueue_dma source(%arg6 : memref<1x128x128xf32, #tpu.memory_space<vmem>>) target(%dma_start3A_599 : memref<1x128x128xf32, #tpu.memory_space<hbm>>) target_semaphore(%arg20 : memref<!tpu.dma_semaphore, #tpu.memory_space<semaphore_mem>>)
      %add3A_600 = arith.constant 1 : i32
      %add3A_601 = arith.addi %mul3A_550, %add3A_600 : i32
      %add3A_602 = arith.constant 4 : i32
      %add3A_603 = arith.addi %add3A_601, %add3A_602 : i32
      %sub3A_604 = arith.constant 7 : i32
      %sub3A_605 = arith.subi %add3A_603, %sub3A_604 : i32
      %mul3A_606 = arith.constant 1 : i32
      %mul3A_607 = arith.muli %sub3A_605, %mul3A_606 : i32
      %dma_wait3A_608 = arith.constant 0 : i32
      %dma_wait3A_609 = tpu.memref_slice %arg4[%mul3A_607, %mul3A_2, %dma_wait3A_608] : memref<50x4096x128xf32, #tpu.memory_space<hbm>> -> memref<1x128x128xf32, #tpu.memory_space<hbm>>
      %dma_wait3A_610 = arith.constant 0 : i32
      %dma_wait3A_611 = tpu.memref_slice %arg4[%mul3A_607, %mul3A_2, %dma_wait3A_610] : memref<50x4096x128xf32, #tpu.memory_space<hbm>> -> memref<1x128x128xf32, #tpu.memory_space<hbm>>
      tpu.wait_dma2 semaphore(%arg25 : memref<!tpu.dma_semaphore, #tpu.memory_space<semaphore_mem>>) src(%arg11 : memref<1x128x128xf32, #tpu.memory_space<vmem>>) dst(%dma_wait3A_611 : memref<1x128x128xf32, #tpu.memory_space<hbm>>)
      %add3A_612 = arith.constant 4 : i32
      %add3A_613 = arith.addi %add3A_601, %add3A_612 : i32
      %mul3A_614 = arith.constant 1 : i32
      %mul3A_615 = arith.muli %add3A_613, %mul3A_614 : i32
      %add3A_616 = arith.constant 0 : i32
      %add3A_617 = arith.addi %mul3A_615, %add3A_616 : i32
      %dma_start3A_618 = arith.constant 0 : i32
      %dma_start3A_619 = arith.constant 0 : i32
      %dma_start3A_620 = arith.constant 0 : i32
      %dma_start3A_621 = tpu.memref_slice %arg11[%dma_start3A_618, %dma_start3A_619, %dma_start3A_620] : memref<1x128x128xf32, #tpu.memory_space<vmem>> -> memref<1x128x128xf32, #tpu.memory_space<vmem>>
      %dma_start3A_622 = tpu.memref_squeeze %dma_start3A_621 : memref<1x128x128xf32, #tpu.memory_space<vmem>> -> memref<128x128xf32, #tpu.memory_space<vmem>>
      %dma_start3A_623 = arith.constant 0 : i32
      %dma_start3A_624 = tpu.memref_slice %arg5[%add3A_617, %dma_start3A_623] : memref<50x128xi32, #tpu.memory_space<vmem>> -> memref<1x128xi32, #tpu.memory_space<vmem>>
      %dma_start3A_625 = tpu.memref_squeeze %dma_start3A_624 : memref<1x128xi32, #tpu.memory_space<vmem>> -> memref<128xi32, #tpu.memory_space<vmem>>
      %dma_start3A_626 = arith.constant 0 : i32
      %dma_start3A_627 = arith.constant 0 : i32
      %dma_start3A_628 = tpu.memref_slice %arg3[%dma_start3A_626, %dma_start3A_627] : memref<100000x128xf32, #tpu.memory_space<hbm>> -> memref<100000x128xf32, #tpu.memory_space<hbm>>
      tpu.enqueue_indirect_dma source(%dma_start3A_628 : memref<100000x128xf32, #tpu.memory_space<hbm>>) target(%dma_start3A_622 : memref<128x128xf32, #tpu.memory_space<vmem>>) offsets(%dma_start3A_625 : memref<128xi32, #tpu.memory_space<vmem>>) semaphore(%arg18 : memref<!tpu.dma_semaphore, #tpu.memory_space<semaphore_mem>>)
      %mul3A_629 = arith.constant 1 : i32
      %mul3A_630 = arith.muli %add3A_601, %mul3A_629 : i32
      %add3A_631 = arith.constant 0 : i32
      %add3A_632 = arith.addi %mul3A_630, %add3A_631 : i32
      %dma_wait3A_633 = arith.constant 0 : i32
      %dma_wait3A_634 = arith.constant 0 : i32
      %dma_wait3A_635 = arith.constant 0 : i32
      %dma_wait3A_636 = tpu.memref_slice %arg7[%dma_wait3A_633, %dma_wait3A_634, %dma_wait3A_635] : memref<1x128x128xf32, #tpu.memory_space<vmem>> -> memref<1x128x128xf32, #tpu.memory_space<vmem>>
      %dma_wait3A_637 = tpu.memref_squeeze %dma_wait3A_636 : memref<1x128x128xf32, #tpu.memory_space<vmem>> -> memref<128x128xf32, #tpu.memory_space<vmem>>
      %dma_wait3A_638 = arith.constant 0 : i32
      %dma_wait3A_639 = tpu.memref_slice %arg5[%add3A_632, %dma_wait3A_638] : memref<50x128xi32, #tpu.memory_space<vmem>> -> memref<1x128xi32, #tpu.memory_space<vmem>>
      %dma_wait3A_640 = tpu.memref_squeeze %dma_wait3A_639 : memref<1x128xi32, #tpu.memory_space<vmem>> -> memref<128xi32, #tpu.memory_space<vmem>>
      %dma_wait3A_641 = arith.constant 0 : i32
      %dma_wait3A_642 = arith.constant 0 : i32
      %dma_wait3A_643 = tpu.memref_slice %arg3[%dma_wait3A_641, %dma_wait3A_642] : memref<100000x128xf32, #tpu.memory_space<hbm>> -> memref<100000x128xf32, #tpu.memory_space<hbm>>
      tpu.wait_indirect_dma semaphore(%arg14 : memref<!tpu.dma_semaphore, #tpu.memory_space<semaphore_mem>>) src(%dma_wait3A_643 : memref<100000x128xf32, #tpu.memory_space<hbm>>) dst(%dma_wait3A_637 : memref<128x128xf32, #tpu.memory_space<vmem>>)
      %mul3A_644 = arith.constant 1 : i32
      %mul3A_645 = arith.muli %add3A_601, %mul3A_644 : i32
      %dma_start3A_646 = arith.constant 0 : i32
      %dma_start3A_647 = tpu.memref_slice %arg4[%mul3A_645, %mul3A_2, %dma_start3A_646] : memref<50x4096x128xf32, #tpu.memory_space<hbm>> -> memref<1x128x128xf32, #tpu.memory_space<hbm>>
      %dma_start3A_648 = arith.constant 0 : i32
      %dma_start3A_649 = tpu.memref_slice %arg4[%mul3A_645, %mul3A_2, %dma_start3A_648] : memref<50x4096x128xf32, #tpu.memory_space<hbm>> -> memref<1x128x128xf32, #tpu.memory_space<hbm>>
      tpu.enqueue_dma source(%arg7 : memref<1x128x128xf32, #tpu.memory_space<vmem>>) target(%dma_start3A_649 : memref<1x128x128xf32, #tpu.memory_space<hbm>>) target_semaphore(%arg21 : memref<!tpu.dma_semaphore, #tpu.memory_space<semaphore_mem>>)
      %add3A_650 = arith.constant 2 : i32
      %add3A_651 = arith.addi %mul3A_550, %add3A_650 : i32
      %add3A_652 = arith.constant 4 : i32
      %add3A_653 = arith.addi %add3A_651, %add3A_652 : i32
      %sub3A_654 = arith.constant 7 : i32
      %sub3A_655 = arith.subi %add3A_653, %sub3A_654 : i32
      %mul3A_656 = arith.constant 1 : i32
      %mul3A_657 = arith.muli %sub3A_655, %mul3A_656 : i32
      %dma_wait3A_658 = arith.constant 0 : i32
      %dma_wait3A_659 = tpu.memref_slice %arg4[%mul3A_657, %mul3A_2, %dma_wait3A_658] : memref<50x4096x128xf32, #tpu.memory_space<hbm>> -> memref<1x128x128xf32, #tpu.memory_space<hbm>>
      %dma_wait3A_660 = arith.constant 0 : i32
      %dma_wait3A_661 = tpu.memref_slice %arg4[%mul3A_657, %mul3A_2, %dma_wait3A_660] : memref<50x4096x128xf32, #tpu.memory_space<hbm>> -> memref<1x128x128xf32, #tpu.memory_space<hbm>>
      tpu.wait_dma2 semaphore(%arg26 : memref<!tpu.dma_semaphore, #tpu.memory_space<semaphore_mem>>) src(%arg12 : memref<1x128x128xf32, #tpu.memory_space<vmem>>) dst(%dma_wait3A_661 : memref<1x128x128xf32, #tpu.memory_space<hbm>>)
      %add3A_662 = arith.constant 4 : i32
      %add3A_663 = arith.addi %add3A_651, %add3A_662 : i32
      %mul3A_664 = arith.constant 1 : i32
      %mul3A_665 = arith.muli %add3A_663, %mul3A_664 : i32
      %add3A_666 = arith.constant 0 : i32
      %add3A_667 = arith.addi %mul3A_665, %add3A_666 : i32
      %dma_start3A_668 = arith.constant 0 : i32
      %dma_start3A_669 = arith.constant 0 : i32
      %dma_start3A_670 = arith.constant 0 : i32
      %dma_start3A_671 = tpu.memref_slice %arg12[%dma_start3A_668, %dma_start3A_669, %dma_start3A_670] : memref<1x128x128xf32, #tpu.memory_space<vmem>> -> memref<1x128x128xf32, #tpu.memory_space<vmem>>
      %dma_start3A_672 = tpu.memref_squeeze %dma_start3A_671 : memref<1x128x128xf32, #tpu.memory_space<vmem>> -> memref<128x128xf32, #tpu.memory_space<vmem>>
      %dma_start3A_673 = arith.constant 0 : i32
      %dma_start3A_674 = tpu.memref_slice %arg5[%add3A_667, %dma_start3A_673] : memref<50x128xi32, #tpu.memory_space<vmem>> -> memref<1x128xi32, #tpu.memory_space<vmem>>
      %dma_start3A_675 = tpu.memref_squeeze %dma_start3A_674 : memref<1x128xi32, #tpu.memory_space<vmem>> -> memref<128xi32, #tpu.memory_space<vmem>>
      %dma_start3A_676 = arith.constant 0 : i32
      %dma_start3A_677 = arith.constant 0 : i32
      %dma_start3A_678 = tpu.memref_slice %arg3[%dma_start3A_676, %dma_start3A_677] : memref<100000x128xf32, #tpu.memory_space<hbm>> -> memref<100000x128xf32, #tpu.memory_space<hbm>>
      tpu.enqueue_indirect_dma source(%dma_start3A_678 : memref<100000x128xf32, #tpu.memory_space<hbm>>) target(%dma_start3A_672 : memref<128x128xf32, #tpu.memory_space<vmem>>) offsets(%dma_start3A_675 : memref<128xi32, #tpu.memory_space<vmem>>) semaphore(%arg19 : memref<!tpu.dma_semaphore, #tpu.memory_space<semaphore_mem>>)
      %mul3A_679 = arith.constant 1 : i32
      %mul3A_680 = arith.muli %add3A_651, %mul3A_679 : i32
      %add3A_681 = arith.constant 0 : i32
      %add3A_682 = arith.addi %mul3A_680, %add3A_681 : i32
      %dma_wait3A_683 = arith.constant 0 : i32
      %dma_wait3A_684 = arith.constant 0 : i32
      %dma_wait3A_685 = arith.constant 0 : i32
      %dma_wait3A_686 = tpu.memref_slice %arg8[%dma_wait3A_683, %dma_wait3A_684, %dma_wait3A_685] : memref<1x128x128xf32, #tpu.memory_space<vmem>> -> memref<1x128x128xf32, #tpu.memory_space<vmem>>
      %dma_wait3A_687 = tpu.memref_squeeze %dma_wait3A_686 : memref<1x128x128xf32, #tpu.memory_space<vmem>> -> memref<128x128xf32, #tpu.memory_space<vmem>>
      %dma_wait3A_688 = arith.constant 0 : i32
      %dma_wait3A_689 = tpu.memref_slice %arg5[%add3A_682, %dma_wait3A_688] : memref<50x128xi32, #tpu.memory_space<vmem>> -> memref<1x128xi32, #tpu.memory_space<vmem>>
      %dma_wait3A_690 = tpu.memref_squeeze %dma_wait3A_689 : memref<1x128xi32, #tpu.memory_space<vmem>> -> memref<128xi32, #tpu.memory_space<vmem>>
      %dma_wait3A_691 = arith.constant 0 : i32
      %dma_wait3A_692 = arith.constant 0 : i32
      %dma_wait3A_693 = tpu.memref_slice %arg3[%dma_wait3A_691, %dma_wait3A_692] : memref<100000x128xf32, #tpu.memory_space<hbm>> -> memref<100000x128xf32, #tpu.memory_space<hbm>>
      tpu.wait_indirect_dma semaphore(%arg15 : memref<!tpu.dma_semaphore, #tpu.memory_space<semaphore_mem>>) src(%dma_wait3A_693 : memref<100000x128xf32, #tpu.memory_space<hbm>>) dst(%dma_wait3A_687 : memref<128x128xf32, #tpu.memory_space<vmem>>)
      %mul3A_694 = arith.constant 1 : i32
      %mul3A_695 = arith.muli %add3A_651, %mul3A_694 : i32
      %dma_start3A_696 = arith.constant 0 : i32
      %dma_start3A_697 = tpu.memref_slice %arg4[%mul3A_695, %mul3A_2, %dma_start3A_696] : memref<50x4096x128xf32, #tpu.memory_space<hbm>> -> memref<1x128x128xf32, #tpu.memory_space<hbm>>
      %dma_start3A_698 = arith.constant 0 : i32
      %dma_start3A_699 = tpu.memref_slice %arg4[%mul3A_695, %mul3A_2, %dma_start3A_698] : memref<50x4096x128xf32, #tpu.memory_space<hbm>> -> memref<1x128x128xf32, #tpu.memory_space<hbm>>
      tpu.enqueue_dma source(%arg8 : memref<1x128x128xf32, #tpu.memory_space<vmem>>) target(%dma_start3A_699 : memref<1x128x128xf32, #tpu.memory_space<hbm>>) target_semaphore(%arg22 : memref<!tpu.dma_semaphore, #tpu.memory_space<semaphore_mem>>)
      %add3A_700 = arith.constant 3 : i32
      %add3A_701 = arith.addi %mul3A_550, %add3A_700 : i32
      %add3A_702 = arith.constant 4 : i32
      %add3A_703 = arith.addi %add3A_701, %add3A_702 : i32
      %sub3A_704 = arith.constant 7 : i32
      %sub3A_705 = arith.subi %add3A_703, %sub3A_704 : i32
      %mul3A_706 = arith.constant 1 : i32
      %mul3A_707 = arith.muli %sub3A_705, %mul3A_706 : i32
      %dma_wait3A_708 = arith.constant 0 : i32
      %dma_wait3A_709 = tpu.memref_slice %arg4[%mul3A_707, %mul3A_2, %dma_wait3A_708] : memref<50x4096x128xf32, #tpu.memory_space<hbm>> -> memref<1x128x128xf32, #tpu.memory_space<hbm>>
      %dma_wait3A_710 = arith.constant 0 : i32
      %dma_wait3A_711 = tpu.memref_slice %arg4[%mul3A_707, %mul3A_2, %dma_wait3A_710] : memref<50x4096x128xf32, #tpu.memory_space<hbm>> -> memref<1x128x128xf32, #tpu.memory_space<hbm>>
      tpu.wait_dma2 semaphore(%arg20 : memref<!tpu.dma_semaphore, #tpu.memory_space<semaphore_mem>>) src(%arg6 : memref<1x128x128xf32, #tpu.memory_space<vmem>>) dst(%dma_wait3A_711 : memref<1x128x128xf32, #tpu.memory_space<hbm>>)
      %add3A_712 = arith.constant 4 : i32
      %add3A_713 = arith.addi %add3A_701, %add3A_712 : i32
      %mul3A_714 = arith.constant 1 : i32
      %mul3A_715 = arith.muli %add3A_713, %mul3A_714 : i32
      %add3A_716 = arith.constant 0 : i32
      %add3A_717 = arith.addi %mul3A_715, %add3A_716 : i32
      %dma_start3A_718 = arith.constant 0 : i32
      %dma_start3A_719 = arith.constant 0 : i32
      %dma_start3A_720 = arith.constant 0 : i32
      %dma_start3A_721 = tpu.memref_slice %arg6[%dma_start3A_718, %dma_start3A_719, %dma_start3A_720] : memref<1x128x128xf32, #tpu.memory_space<vmem>> -> memref<1x128x128xf32, #tpu.memory_space<vmem>>
      %dma_start3A_722 = tpu.memref_squeeze %dma_start3A_721 : memref<1x128x128xf32, #tpu.memory_space<vmem>> -> memref<128x128xf32, #tpu.memory_space<vmem>>
      %dma_start3A_723 = arith.constant 0 : i32
      %dma_start3A_724 = tpu.memref_slice %arg5[%add3A_717, %dma_start3A_723] : memref<50x128xi32, #tpu.memory_space<vmem>> -> memref<1x128xi32, #tpu.memory_space<vmem>>
      %dma_start3A_725 = tpu.memref_squeeze %dma_start3A_724 : memref<1x128xi32, #tpu.memory_space<vmem>> -> memref<128xi32, #tpu.memory_space<vmem>>
      %dma_start3A_726 = arith.constant 0 : i32
      %dma_start3A_727 = arith.constant 0 : i32
      %dma_start3A_728 = tpu.memref_slice %arg3[%dma_start3A_726, %dma_start3A_727] : memref<100000x128xf32, #tpu.memory_space<hbm>> -> memref<100000x128xf32, #tpu.memory_space<hbm>>
      tpu.enqueue_indirect_dma source(%dma_start3A_728 : memref<100000x128xf32, #tpu.memory_space<hbm>>) target(%dma_start3A_722 : memref<128x128xf32, #tpu.memory_space<vmem>>) offsets(%dma_start3A_725 : memref<128xi32, #tpu.memory_space<vmem>>) semaphore(%arg13 : memref<!tpu.dma_semaphore, #tpu.memory_space<semaphore_mem>>)
      %mul3A_729 = arith.constant 1 : i32
      %mul3A_730 = arith.muli %add3A_701, %mul3A_729 : i32
      %add3A_731 = arith.constant 0 : i32
      %add3A_732 = arith.addi %mul3A_730, %add3A_731 : i32
      %dma_wait3A_733 = arith.constant 0 : i32
      %dma_wait3A_734 = arith.constant 0 : i32
      %dma_wait3A_735 = arith.constant 0 : i32
      %dma_wait3A_736 = tpu.memref_slice %arg9[%dma_wait3A_733, %dma_wait3A_734, %dma_wait3A_735] : memref<1x128x128xf32, #tpu.memory_space<vmem>> -> memref<1x128x128xf32, #tpu.memory_space<vmem>>
      %dma_wait3A_737 = tpu.memref_squeeze %dma_wait3A_736 : memref<1x128x128xf32, #tpu.memory_space<vmem>> -> memref<128x128xf32, #tpu.memory_space<vmem>>
      %dma_wait3A_738 = arith.constant 0 : i32
      %dma_wait3A_739 = tpu.memref_slice %arg5[%add3A_732, %dma_wait3A_738] : memref<50x128xi32, #tpu.memory_space<vmem>> -> memref<1x128xi32, #tpu.memory_space<vmem>>
      %dma_wait3A_740 = tpu.memref_squeeze %dma_wait3A_739 : memref<1x128xi32, #tpu.memory_space<vmem>> -> memref<128xi32, #tpu.memory_space<vmem>>
      %dma_wait3A_741 = arith.constant 0 : i32
      %dma_wait3A_742 = arith.constant 0 : i32
      %dma_wait3A_743 = tpu.memref_slice %arg3[%dma_wait3A_741, %dma_wait3A_742] : memref<100000x128xf32, #tpu.memory_space<hbm>> -> memref<100000x128xf32, #tpu.memory_space<hbm>>
      tpu.wait_indirect_dma semaphore(%arg16 : memref<!tpu.dma_semaphore, #tpu.memory_space<semaphore_mem>>) src(%dma_wait3A_743 : memref<100000x128xf32, #tpu.memory_space<hbm>>) dst(%dma_wait3A_737 : memref<128x128xf32, #tpu.memory_space<vmem>>)
      %mul3A_744 = arith.constant 1 : i32
      %mul3A_745 = arith.muli %add3A_701, %mul3A_744 : i32
      %dma_start3A_746 = arith.constant 0 : i32
      %dma_start3A_747 = tpu.memref_slice %arg4[%mul3A_745, %mul3A_2, %dma_start3A_746] : memref<50x4096x128xf32, #tpu.memory_space<hbm>> -> memref<1x128x128xf32, #tpu.memory_space<hbm>>
      %dma_start3A_748 = arith.constant 0 : i32
      %dma_start3A_749 = tpu.memref_slice %arg4[%mul3A_745, %mul3A_2, %dma_start3A_748] : memref<50x4096x128xf32, #tpu.memory_space<hbm>> -> memref<1x128x128xf32, #tpu.memory_space<hbm>>
      tpu.enqueue_dma source(%arg9 : memref<1x128x128xf32, #tpu.memory_space<vmem>>) target(%dma_start3A_749 : memref<1x128x128xf32, #tpu.memory_space<hbm>>) target_semaphore(%arg23 : memref<!tpu.dma_semaphore, #tpu.memory_space<semaphore_mem>>)
      %add3A_750 = arith.constant 4 : i32
      %add3A_751 = arith.addi %mul3A_550, %add3A_750 : i32
      %add3A_752 = arith.constant 4 : i32
      %add3A_753 = arith.addi %add3A_751, %add3A_752 : i32
      %sub3A_754 = arith.constant 7 : i32
      %sub3A_755 = arith.subi %add3A_753, %sub3A_754 : i32
      %mul3A_756 = arith.constant 1 : i32
      %mul3A_757 = arith.muli %sub3A_755, %mul3A_756 : i32
      %dma_wait3A_758 = arith.constant 0 : i32
      %dma_wait3A_759 = tpu.memref_slice %arg4[%mul3A_757, %mul3A_2, %dma_wait3A_758] : memref<50x4096x128xf32, #tpu.memory_space<hbm>> -> memref<1x128x128xf32, #tpu.memory_space<hbm>>
      %dma_wait3A_760 = arith.constant 0 : i32
      %dma_wait3A_761 = tpu.memref_slice %arg4[%mul3A_757, %mul3A_2, %dma_wait3A_760] : memref<50x4096x128xf32, #tpu.memory_space<hbm>> -> memref<1x128x128xf32, #tpu.memory_space<hbm>>
      tpu.wait_dma2 semaphore(%arg21 : memref<!tpu.dma_semaphore, #tpu.memory_space<semaphore_mem>>) src(%arg7 : memref<1x128x128xf32, #tpu.memory_space<vmem>>) dst(%dma_wait3A_761 : memref<1x128x128xf32, #tpu.memory_space<hbm>>)
      %add3A_762 = arith.constant 4 : i32
      %add3A_763 = arith.addi %add3A_751, %add3A_762 : i32
      %mul3A_764 = arith.constant 1 : i32
      %mul3A_765 = arith.muli %add3A_763, %mul3A_764 : i32
      %add3A_766 = arith.constant 0 : i32
      %add3A_767 = arith.addi %mul3A_765, %add3A_766 : i32
      %dma_start3A_768 = arith.constant 0 : i32
      %dma_start3A_769 = arith.constant 0 : i32
      %dma_start3A_770 = arith.constant 0 : i32
      %dma_start3A_771 = tpu.memref_slice %arg7[%dma_start3A_768, %dma_start3A_769, %dma_start3A_770] : memref<1x128x128xf32, #tpu.memory_space<vmem>> -> memref<1x128x128xf32, #tpu.memory_space<vmem>>
      %dma_start3A_772 = tpu.memref_squeeze %dma_start3A_771 : memref<1x128x128xf32, #tpu.memory_space<vmem>> -> memref<128x128xf32, #tpu.memory_space<vmem>>
      %dma_start3A_773 = arith.constant 0 : i32
      %dma_start3A_774 = tpu.memref_slice %arg5[%add3A_767, %dma_start3A_773] : memref<50x128xi32, #tpu.memory_space<vmem>> -> memref<1x128xi32, #tpu.memory_space<vmem>>
      %dma_start3A_775 = tpu.memref_squeeze %dma_start3A_774 : memref<1x128xi32, #tpu.memory_space<vmem>> -> memref<128xi32, #tpu.memory_space<vmem>>
      %dma_start3A_776 = arith.constant 0 : i32
      %dma_start3A_777 = arith.constant 0 : i32
      %dma_start3A_778 = tpu.memref_slice %arg3[%dma_start3A_776, %dma_start3A_777] : memref<100000x128xf32, #tpu.memory_space<hbm>> -> memref<100000x128xf32, #tpu.memory_space<hbm>>
      tpu.enqueue_indirect_dma source(%dma_start3A_778 : memref<100000x128xf32, #tpu.memory_space<hbm>>) target(%dma_start3A_772 : memref<128x128xf32, #tpu.memory_space<vmem>>) offsets(%dma_start3A_775 : memref<128xi32, #tpu.memory_space<vmem>>) semaphore(%arg14 : memref<!tpu.dma_semaphore, #tpu.memory_space<semaphore_mem>>)
      %mul3A_779 = arith.constant 1 : i32
      %mul3A_780 = arith.muli %add3A_751, %mul3A_779 : i32
      %add3A_781 = arith.constant 0 : i32
      %add3A_782 = arith.addi %mul3A_780, %add3A_781 : i32
      %dma_wait3A_783 = arith.constant 0 : i32
      %dma_wait3A_784 = arith.constant 0 : i32
      %dma_wait3A_785 = arith.constant 0 : i32
      %dma_wait3A_786 = tpu.memref_slice %arg10[%dma_wait3A_783, %dma_wait3A_784, %dma_wait3A_785] : memref<1x128x128xf32, #tpu.memory_space<vmem>> -> memref<1x128x128xf32, #tpu.memory_space<vmem>>
      %dma_wait3A_787 = tpu.memref_squeeze %dma_wait3A_786 : memref<1x128x128xf32, #tpu.memory_space<vmem>> -> memref<128x128xf32, #tpu.memory_space<vmem>>
      %dma_wait3A_788 = arith.constant 0 : i32
      %dma_wait3A_789 = tpu.memref_slice %arg5[%add3A_782, %dma_wait3A_788] : memref<50x128xi32, #tpu.memory_space<vmem>> -> memref<1x128xi32, #tpu.memory_space<vmem>>
      %dma_wait3A_790 = tpu.memref_squeeze %dma_wait3A_789 : memref<1x128xi32, #tpu.memory_space<vmem>> -> memref<128xi32, #tpu.memory_space<vmem>>
      %dma_wait3A_791 = arith.constant 0 : i32
      %dma_wait3A_792 = arith.constant 0 : i32
      %dma_wait3A_793 = tpu.memref_slice %arg3[%dma_wait3A_791, %dma_wait3A_792] : memref<100000x128xf32, #tpu.memory_space<hbm>> -> memref<100000x128xf32, #tpu.memory_space<hbm>>
      tpu.wait_indirect_dma semaphore(%arg17 : memref<!tpu.dma_semaphore, #tpu.memory_space<semaphore_mem>>) src(%dma_wait3A_793 : memref<100000x128xf32, #tpu.memory_space<hbm>>) dst(%dma_wait3A_787 : memref<128x128xf32, #tpu.memory_space<vmem>>)
      %mul3A_794 = arith.constant 1 : i32
      %mul3A_795 = arith.muli %add3A_751, %mul3A_794 : i32
      %dma_start3A_796 = arith.constant 0 : i32
      %dma_start3A_797 = tpu.memref_slice %arg4[%mul3A_795, %mul3A_2, %dma_start3A_796] : memref<50x4096x128xf32, #tpu.memory_space<hbm>> -> memref<1x128x128xf32, #tpu.memory_space<hbm>>
      %dma_start3A_798 = arith.constant 0 : i32
      %dma_start3A_799 = tpu.memref_slice %arg4[%mul3A_795, %mul3A_2, %dma_start3A_798] : memref<50x4096x128xf32, #tpu.memory_space<hbm>> -> memref<1x128x128xf32, #tpu.memory_space<hbm>>
      tpu.enqueue_dma source(%arg10 : memref<1x128x128xf32, #tpu.memory_space<vmem>>) target(%dma_start3A_799 : memref<1x128x128xf32, #tpu.memory_space<hbm>>) target_semaphore(%arg24 : memref<!tpu.dma_semaphore, #tpu.memory_space<semaphore_mem>>)
      %add3A_800 = arith.constant 5 : i32
      %add3A_801 = arith.addi %mul3A_550, %add3A_800 : i32
      %add3A_802 = arith.constant 4 : i32
      %add3A_803 = arith.addi %add3A_801, %add3A_802 : i32
      %sub3A_804 = arith.constant 7 : i32
      %sub3A_805 = arith.subi %add3A_803, %sub3A_804 : i32
      %mul3A_806 = arith.constant 1 : i32
      %mul3A_807 = arith.muli %sub3A_805, %mul3A_806 : i32
      %dma_wait3A_808 = arith.constant 0 : i32
      %dma_wait3A_809 = tpu.memref_slice %arg4[%mul3A_807, %mul3A_2, %dma_wait3A_808] : memref<50x4096x128xf32, #tpu.memory_space<hbm>> -> memref<1x128x128xf32, #tpu.memory_space<hbm>>
      %dma_wait3A_810 = arith.constant 0 : i32
      %dma_wait3A_811 = tpu.memref_slice %arg4[%mul3A_807, %mul3A_2, %dma_wait3A_810] : memref<50x4096x128xf32, #tpu.memory_space<hbm>> -> memref<1x128x128xf32, #tpu.memory_space<hbm>>
      tpu.wait_dma2 semaphore(%arg22 : memref<!tpu.dma_semaphore, #tpu.memory_space<semaphore_mem>>) src(%arg8 : memref<1x128x128xf32, #tpu.memory_space<vmem>>) dst(%dma_wait3A_811 : memref<1x128x128xf32, #tpu.memory_space<hbm>>)
      %add3A_812 = arith.constant 4 : i32
      %add3A_813 = arith.addi %add3A_801, %add3A_812 : i32
      %mul3A_814 = arith.constant 1 : i32
      %mul3A_815 = arith.muli %add3A_813, %mul3A_814 : i32
      %add3A_816 = arith.constant 0 : i32
      %add3A_817 = arith.addi %mul3A_815, %add3A_816 : i32
      %dma_start3A_818 = arith.constant 0 : i32
      %dma_start3A_819 = arith.constant 0 : i32
      %dma_start3A_820 = arith.constant 0 : i32
      %dma_start3A_821 = tpu.memref_slice %arg8[%dma_start3A_818, %dma_start3A_819, %dma_start3A_820] : memref<1x128x128xf32, #tpu.memory_space<vmem>> -> memref<1x128x128xf32, #tpu.memory_space<vmem>>
      %dma_start3A_822 = tpu.memref_squeeze %dma_start3A_821 : memref<1x128x128xf32, #tpu.memory_space<vmem>> -> memref<128x128xf32, #tpu.memory_space<vmem>>
      %dma_start3A_823 = arith.constant 0 : i32
      %dma_start3A_824 = tpu.memref_slice %arg5[%add3A_817, %dma_start3A_823] : memref<50x128xi32, #tpu.memory_space<vmem>> -> memref<1x128xi32, #tpu.memory_space<vmem>>
      %dma_start3A_825 = tpu.memref_squeeze %dma_start3A_824 : memref<1x128xi32, #tpu.memory_space<vmem>> -> memref<128xi32, #tpu.memory_space<vmem>>
      %dma_start3A_826 = arith.constant 0 : i32
      %dma_start3A_827 = arith.constant 0 : i32
      %dma_start3A_828 = tpu.memref_slice %arg3[%dma_start3A_826, %dma_start3A_827] : memref<100000x128xf32, #tpu.memory_space<hbm>> -> memref<100000x128xf32, #tpu.memory_space<hbm>>
      tpu.enqueue_indirect_dma source(%dma_start3A_828 : memref<100000x128xf32, #tpu.memory_space<hbm>>) target(%dma_start3A_822 : memref<128x128xf32, #tpu.memory_space<vmem>>) offsets(%dma_start3A_825 : memref<128xi32, #tpu.memory_space<vmem>>) semaphore(%arg15 : memref<!tpu.dma_semaphore, #tpu.memory_space<semaphore_mem>>)
      %mul3A_829 = arith.constant 1 : i32
      %mul3A_830 = arith.muli %add3A_801, %mul3A_829 : i32
      %add3A_831 = arith.constant 0 : i32
      %add3A_832 = arith.addi %mul3A_830, %add3A_831 : i32
      %dma_wait3A_833 = arith.constant 0 : i32
      %dma_wait3A_834 = arith.constant 0 : i32
      %dma_wait3A_835 = arith.constant 0 : i32
      %dma_wait3A_836 = tpu.memref_slice %arg11[%dma_wait3A_833, %dma_wait3A_834, %dma_wait3A_835] : memref<1x128x128xf32, #tpu.memory_space<vmem>> -> memref<1x128x128xf32, #tpu.memory_space<vmem>>
      %dma_wait3A_837 = tpu.memref_squeeze %dma_wait3A_836 : memref<1x128x128xf32, #tpu.memory_space<vmem>> -> memref<128x128xf32, #tpu.memory_space<vmem>>
      %dma_wait3A_838 = arith.constant 0 : i32
      %dma_wait3A_839 = tpu.memref_slice %arg5[%add3A_832, %dma_wait3A_838] : memref<50x128xi32, #tpu.memory_space<vmem>> -> memref<1x128xi32, #tpu.memory_space<vmem>>
      %dma_wait3A_840 = tpu.memref_squeeze %dma_wait3A_839 : memref<1x128xi32, #tpu.memory_space<vmem>> -> memref<128xi32, #tpu.memory_space<vmem>>
      %dma_wait3A_841 = arith.constant 0 : i32
      %dma_wait3A_842 = arith.constant 0 : i32
      %dma_wait3A_843 = tpu.memref_slice %arg3[%dma_wait3A_841, %dma_wait3A_842] : memref<100000x128xf32, #tpu.memory_space<hbm>> -> memref<100000x128xf32, #tpu.memory_space<hbm>>
      tpu.wait_indirect_dma semaphore(%arg18 : memref<!tpu.dma_semaphore, #tpu.memory_space<semaphore_mem>>) src(%dma_wait3A_843 : memref<100000x128xf32, #tpu.memory_space<hbm>>) dst(%dma_wait3A_837 : memref<128x128xf32, #tpu.memory_space<vmem>>)
      %mul3A_844 = arith.constant 1 : i32
      %mul3A_845 = arith.muli %add3A_801, %mul3A_844 : i32
      %dma_start3A_846 = arith.constant 0 : i32
      %dma_start3A_847 = tpu.memref_slice %arg4[%mul3A_845, %mul3A_2, %dma_start3A_846] : memref<50x4096x128xf32, #tpu.memory_space<hbm>> -> memref<1x128x128xf32, #tpu.memory_space<hbm>>
      %dma_start3A_848 = arith.constant 0 : i32
      %dma_start3A_849 = tpu.memref_slice %arg4[%mul3A_845, %mul3A_2, %dma_start3A_848] : memref<50x4096x128xf32, #tpu.memory_space<hbm>> -> memref<1x128x128xf32, #tpu.memory_space<hbm>>
      tpu.enqueue_dma source(%arg11 : memref<1x128x128xf32, #tpu.memory_space<vmem>>) target(%dma_start3A_849 : memref<1x128x128xf32, #tpu.memory_space<hbm>>) target_semaphore(%arg25 : memref<!tpu.dma_semaphore, #tpu.memory_space<semaphore_mem>>)
      %add3A_850 = arith.constant 6 : i32
      %add3A_851 = arith.addi %mul3A_550, %add3A_850 : i32
      %add3A_852 = arith.constant 4 : i32
      %add3A_853 = arith.addi %add3A_851, %add3A_852 : i32
      %sub3A_854 = arith.constant 7 : i32
      %sub3A_855 = arith.subi %add3A_853, %sub3A_854 : i32
      %mul3A_856 = arith.constant 1 : i32
      %mul3A_857 = arith.muli %sub3A_855, %mul3A_856 : i32
      %dma_wait3A_858 = arith.constant 0 : i32
      %dma_wait3A_859 = tpu.memref_slice %arg4[%mul3A_857, %mul3A_2, %dma_wait3A_858] : memref<50x4096x128xf32, #tpu.memory_space<hbm>> -> memref<1x128x128xf32, #tpu.memory_space<hbm>>
      %dma_wait3A_860 = arith.constant 0 : i32
      %dma_wait3A_861 = tpu.memref_slice %arg4[%mul3A_857, %mul3A_2, %dma_wait3A_860] : memref<50x4096x128xf32, #tpu.memory_space<hbm>> -> memref<1x128x128xf32, #tpu.memory_space<hbm>>
      tpu.wait_dma2 semaphore(%arg23 : memref<!tpu.dma_semaphore, #tpu.memory_space<semaphore_mem>>) src(%arg9 : memref<1x128x128xf32, #tpu.memory_space<vmem>>) dst(%dma_wait3A_861 : memref<1x128x128xf32, #tpu.memory_space<hbm>>)
      %add3A_862 = arith.constant 4 : i32
      %add3A_863 = arith.addi %add3A_851, %add3A_862 : i32
      %mul3A_864 = arith.constant 1 : i32
      %mul3A_865 = arith.muli %add3A_863, %mul3A_864 : i32
      %add3A_866 = arith.constant 0 : i32
      %add3A_867 = arith.addi %mul3A_865, %add3A_866 : i32
      %dma_start3A_868 = arith.constant 0 : i32
      %dma_start3A_869 = arith.constant 0 : i32
      %dma_start3A_870 = arith.constant 0 : i32
      %dma_start3A_871 = tpu.memref_slice %arg9[%dma_start3A_868, %dma_start3A_869, %dma_start3A_870] : memref<1x128x128xf32, #tpu.memory_space<vmem>> -> memref<1x128x128xf32, #tpu.memory_space<vmem>>
      %dma_start3A_872 = tpu.memref_squeeze %dma_start3A_871 : memref<1x128x128xf32, #tpu.memory_space<vmem>> -> memref<128x128xf32, #tpu.memory_space<vmem>>
      %dma_start3A_873 = arith.constant 0 : i32
      %dma_start3A_874 = tpu.memref_slice %arg5[%add3A_867, %dma_start3A_873] : memref<50x128xi32, #tpu.memory_space<vmem>> -> memref<1x128xi32, #tpu.memory_space<vmem>>
      %dma_start3A_875 = tpu.memref_squeeze %dma_start3A_874 : memref<1x128xi32, #tpu.memory_space<vmem>> -> memref<128xi32, #tpu.memory_space<vmem>>
      %dma_start3A_876 = arith.constant 0 : i32
      %dma_start3A_877 = arith.constant 0 : i32
      %dma_start3A_878 = tpu.memref_slice %arg3[%dma_start3A_876, %dma_start3A_877] : memref<100000x128xf32, #tpu.memory_space<hbm>> -> memref<100000x128xf32, #tpu.memory_space<hbm>>
      tpu.enqueue_indirect_dma source(%dma_start3A_878 : memref<100000x128xf32, #tpu.memory_space<hbm>>) target(%dma_start3A_872 : memref<128x128xf32, #tpu.memory_space<vmem>>) offsets(%dma_start3A_875 : memref<128xi32, #tpu.memory_space<vmem>>) semaphore(%arg16 : memref<!tpu.dma_semaphore, #tpu.memory_space<semaphore_mem>>)
      %mul3A_879 = arith.constant 1 : i32
      %mul3A_880 = arith.muli %add3A_851, %mul3A_879 : i32
      %add3A_881 = arith.constant 0 : i32
      %add3A_882 = arith.addi %mul3A_880, %add3A_881 : i32
      %dma_wait3A_883 = arith.constant 0 : i32
      %dma_wait3A_884 = arith.constant 0 : i32
      %dma_wait3A_885 = arith.constant 0 : i32
      %dma_wait3A_886 = tpu.memref_slice %arg12[%dma_wait3A_883, %dma_wait3A_884, %dma_wait3A_885] : memref<1x128x128xf32, #tpu.memory_space<vmem>> -> memref<1x128x128xf32, #tpu.memory_space<vmem>>
      %dma_wait3A_887 = tpu.memref_squeeze %dma_wait3A_886 : memref<1x128x128xf32, #tpu.memory_space<vmem>> -> memref<128x128xf32, #tpu.memory_space<vmem>>
      %dma_wait3A_888 = arith.constant 0 : i32
      %dma_wait3A_889 = tpu.memref_slice %arg5[%add3A_882, %dma_wait3A_888] : memref<50x128xi32, #tpu.memory_space<vmem>> -> memref<1x128xi32, #tpu.memory_space<vmem>>
      %dma_wait3A_890 = tpu.memref_squeeze %dma_wait3A_889 : memref<1x128xi32, #tpu.memory_space<vmem>> -> memref<128xi32, #tpu.memory_space<vmem>>
      %dma_wait3A_891 = arith.constant 0 : i32
      %dma_wait3A_892 = arith.constant 0 : i32
      %dma_wait3A_893 = tpu.memref_slice %arg3[%dma_wait3A_891, %dma_wait3A_892] : memref<100000x128xf32, #tpu.memory_space<hbm>> -> memref<100000x128xf32, #tpu.memory_space<hbm>>
      tpu.wait_indirect_dma semaphore(%arg19 : memref<!tpu.dma_semaphore, #tpu.memory_space<semaphore_mem>>) src(%dma_wait3A_893 : memref<100000x128xf32, #tpu.memory_space<hbm>>) dst(%dma_wait3A_887 : memref<128x128xf32, #tpu.memory_space<vmem>>)
      %mul3A_894 = arith.constant 1 : i32
      %mul3A_895 = arith.muli %add3A_851, %mul3A_894 : i32
      %dma_start3A_896 = arith.constant 0 : i32
      %dma_start3A_897 = tpu.memref_slice %arg4[%mul3A_895, %mul3A_2, %dma_start3A_896] : memref<50x4096x128xf32, #tpu.memory_space<hbm>> -> memref<1x128x128xf32, #tpu.memory_space<hbm>>
      %dma_start3A_898 = arith.constant 0 : i32
      %dma_start3A_899 = tpu.memref_slice %arg4[%mul3A_895, %mul3A_2, %dma_start3A_898] : memref<50x4096x128xf32, #tpu.memory_space<hbm>> -> memref<1x128x128xf32, #tpu.memory_space<hbm>>
      tpu.enqueue_dma source(%arg12 : memref<1x128x128xf32, #tpu.memory_space<vmem>>) target(%dma_start3A_899 : memref<1x128x128xf32, #tpu.memory_space<hbm>>) target_semaphore(%arg26 : memref<!tpu.dma_semaphore, #tpu.memory_space<semaphore_mem>>)
      %scan3A_900 = arith.constant 0 : i32
      scf.yield %scan3A_900 : i32
    }
    %scan3A_288 = arith.constant 5 : i32
    %dma_wait3A_289 = arith.constant 39 : i32
    %dma_wait3A_290 = arith.constant 0 : i32
    %dma_wait3A_291 = tpu.memref_slice %arg4[%dma_wait3A_289, %mul3A_2, %dma_wait3A_290] : memref<50x4096x128xf32, #tpu.memory_space<hbm>> -> memref<1x128x128xf32, #tpu.memory_space<hbm>>
    %dma_wait3A_292 = arith.constant 39 : i32
    %dma_wait3A_293 = arith.constant 0 : i32
    %dma_wait3A_294 = tpu.memref_slice %arg4[%dma_wait3A_292, %mul3A_2, %dma_wait3A_293] : memref<50x4096x128xf32, #tpu.memory_space<hbm>> -> memref<1x128x128xf32, #tpu.memory_space<hbm>>
    tpu.wait_dma2 semaphore(%arg24 : memref<!tpu.dma_semaphore, #tpu.memory_space<semaphore_mem>>) src(%arg10 : memref<1x128x128xf32, #tpu.memory_space<vmem>>) dst(%dma_wait3A_294 : memref<1x128x128xf32, #tpu.memory_space<hbm>>)
    %dma_start3A_295 = arith.constant 46 : i32
    %dma_start3A_296 = arith.constant 0 : i32
    %dma_start3A_297 = arith.constant 0 : i32
    %dma_start3A_298 = arith.constant 0 : i32
    %dma_start3A_299 = tpu.memref_slice %arg10[%dma_start3A_296, %dma_start3A_297, %dma_start3A_298] : memref<1x128x128xf32, #tpu.memory_space<vmem>> -> memref<1x128x128xf32, #tpu.memory_space<vmem>>
    %dma_start3A_300 = tpu.memref_squeeze %dma_start3A_299 : memref<1x128x128xf32, #tpu.memory_space<vmem>> -> memref<128x128xf32, #tpu.memory_space<vmem>>
    %dma_start3A_301 = arith.constant 0 : i32
    %dma_start3A_302 = tpu.memref_slice %arg5[%dma_start3A_295, %dma_start3A_301] : memref<50x128xi32, #tpu.memory_space<vmem>> -> memref<1x128xi32, #tpu.memory_space<vmem>>
    %dma_start3A_303 = tpu.memref_squeeze %dma_start3A_302 : memref<1x128xi32, #tpu.memory_space<vmem>> -> memref<128xi32, #tpu.memory_space<vmem>>
    %dma_start3A_304 = arith.constant 0 : i32
    %dma_start3A_305 = arith.constant 0 : i32
    %dma_start3A_306 = tpu.memref_slice %arg3[%dma_start3A_304, %dma_start3A_305] : memref<100000x128xf32, #tpu.memory_space<hbm>> -> memref<100000x128xf32, #tpu.memory_space<hbm>>
    tpu.enqueue_indirect_dma source(%dma_start3A_306 : memref<100000x128xf32, #tpu.memory_space<hbm>>) target(%dma_start3A_300 : memref<128x128xf32, #tpu.memory_space<vmem>>) offsets(%dma_start3A_303 : memref<128xi32, #tpu.memory_space<vmem>>) semaphore(%arg17 : memref<!tpu.dma_semaphore, #tpu.memory_space<semaphore_mem>>)
    %dma_wait3A_307 = arith.constant 42 : i32
    %dma_wait3A_308 = arith.constant 0 : i32
    %dma_wait3A_309 = arith.constant 0 : i32
    %dma_wait3A_310 = arith.constant 0 : i32
    %dma_wait3A_311 = tpu.memref_slice %arg6[%dma_wait3A_308, %dma_wait3A_309, %dma_wait3A_310] : memref<1x128x128xf32, #tpu.memory_space<vmem>> -> memref<1x128x128xf32, #tpu.memory_space<vmem>>
    %dma_wait3A_312 = tpu.memref_squeeze %dma_wait3A_311 : memref<1x128x128xf32, #tpu.memory_space<vmem>> -> memref<128x128xf32, #tpu.memory_space<vmem>>
    %dma_wait3A_313 = arith.constant 0 : i32
    %dma_wait3A_314 = tpu.memref_slice %arg5[%dma_wait3A_307, %dma_wait3A_313] : memref<50x128xi32, #tpu.memory_space<vmem>> -> memref<1x128xi32, #tpu.memory_space<vmem>>
    %dma_wait3A_315 = tpu.memref_squeeze %dma_wait3A_314 : memref<1x128xi32, #tpu.memory_space<vmem>> -> memref<128xi32, #tpu.memory_space<vmem>>
    %dma_wait3A_316 = arith.constant 0 : i32
    %dma_wait3A_317 = arith.constant 0 : i32
    %dma_wait3A_318 = tpu.memref_slice %arg3[%dma_wait3A_316, %dma_wait3A_317] : memref<100000x128xf32, #tpu.memory_space<hbm>> -> memref<100000x128xf32, #tpu.memory_space<hbm>>
    tpu.wait_indirect_dma semaphore(%arg13 : memref<!tpu.dma_semaphore, #tpu.memory_space<semaphore_mem>>) src(%dma_wait3A_318 : memref<100000x128xf32, #tpu.memory_space<hbm>>) dst(%dma_wait3A_312 : memref<128x128xf32, #tpu.memory_space<vmem>>)
    %dma_start3A_319 = arith.constant 42 : i32
    %dma_start3A_320 = arith.constant 0 : i32
    %dma_start3A_321 = tpu.memref_slice %arg4[%dma_start3A_319, %mul3A_2, %dma_start3A_320] : memref<50x4096x128xf32, #tpu.memory_space<hbm>> -> memref<1x128x128xf32, #tpu.memory_space<hbm>>
    %dma_start3A_322 = arith.constant 42 : i32
    %dma_start3A_323 = arith.constant 0 : i32
    %dma_start3A_324 = tpu.memref_slice %arg4[%dma_start3A_322, %mul3A_2, %dma_start3A_323] : memref<50x4096x128xf32, #tpu.memory_space<hbm>> -> memref<1x128x128xf32, #tpu.memory_space<hbm>>
    tpu.enqueue_dma source(%arg6 : memref<1x128x128xf32, #tpu.memory_space<vmem>>) target(%dma_start3A_324 : memref<1x128x128xf32, #tpu.memory_space<hbm>>) target_semaphore(%arg20 : memref<!tpu.dma_semaphore, #tpu.memory_space<semaphore_mem>>)
    %dma_wait3A_325 = arith.constant 40 : i32
    %dma_wait3A_326 = arith.constant 0 : i32
    %dma_wait3A_327 = tpu.memref_slice %arg4[%dma_wait3A_325, %mul3A_2, %dma_wait3A_326] : memref<50x4096x128xf32, #tpu.memory_space<hbm>> -> memref<1x128x128xf32, #tpu.memory_space<hbm>>
    %dma_wait3A_328 = arith.constant 40 : i32
    %dma_wait3A_329 = arith.constant 0 : i32
    %dma_wait3A_330 = tpu.memref_slice %arg4[%dma_wait3A_328, %mul3A_2, %dma_wait3A_329] : memref<50x4096x128xf32, #tpu.memory_space<hbm>> -> memref<1x128x128xf32, #tpu.memory_space<hbm>>
    tpu.wait_dma2 semaphore(%arg25 : memref<!tpu.dma_semaphore, #tpu.memory_space<semaphore_mem>>) src(%arg11 : memref<1x128x128xf32, #tpu.memory_space<vmem>>) dst(%dma_wait3A_330 : memref<1x128x128xf32, #tpu.memory_space<hbm>>)
    %dma_start3A_331 = arith.constant 47 : i32
    %dma_start3A_332 = arith.constant 0 : i32
    %dma_start3A_333 = arith.constant 0 : i32
    %dma_start3A_334 = arith.constant 0 : i32
    %dma_start3A_335 = tpu.memref_slice %arg11[%dma_start3A_332, %dma_start3A_333, %dma_start3A_334] : memref<1x128x128xf32, #tpu.memory_space<vmem>> -> memref<1x128x128xf32, #tpu.memory_space<vmem>>
    %dma_start3A_336 = tpu.memref_squeeze %dma_start3A_335 : memref<1x128x128xf32, #tpu.memory_space<vmem>> -> memref<128x128xf32, #tpu.memory_space<vmem>>
    %dma_start3A_337 = arith.constant 0 : i32
    %dma_start3A_338 = tpu.memref_slice %arg5[%dma_start3A_331, %dma_start3A_337] : memref<50x128xi32, #tpu.memory_space<vmem>> -> memref<1x128xi32, #tpu.memory_space<vmem>>
    %dma_start3A_339 = tpu.memref_squeeze %dma_start3A_338 : memref<1x128xi32, #tpu.memory_space<vmem>> -> memref<128xi32, #tpu.memory_space<vmem>>
    %dma_start3A_340 = arith.constant 0 : i32
    %dma_start3A_341 = arith.constant 0 : i32
    %dma_start3A_342 = tpu.memref_slice %arg3[%dma_start3A_340, %dma_start3A_341] : memref<100000x128xf32, #tpu.memory_space<hbm>> -> memref<100000x128xf32, #tpu.memory_space<hbm>>
    tpu.enqueue_indirect_dma source(%dma_start3A_342 : memref<100000x128xf32, #tpu.memory_space<hbm>>) target(%dma_start3A_336 : memref<128x128xf32, #tpu.memory_space<vmem>>) offsets(%dma_start3A_339 : memref<128xi32, #tpu.memory_space<vmem>>) semaphore(%arg18 : memref<!tpu.dma_semaphore, #tpu.memory_space<semaphore_mem>>)
    %dma_wait3A_343 = arith.constant 43 : i32
    %dma_wait3A_344 = arith.constant 0 : i32
    %dma_wait3A_345 = arith.constant 0 : i32
    %dma_wait3A_346 = arith.constant 0 : i32
    %dma_wait3A_347 = tpu.memref_slice %arg7[%dma_wait3A_344, %dma_wait3A_345, %dma_wait3A_346] : memref<1x128x128xf32, #tpu.memory_space<vmem>> -> memref<1x128x128xf32, #tpu.memory_space<vmem>>
    %dma_wait3A_348 = tpu.memref_squeeze %dma_wait3A_347 : memref<1x128x128xf32, #tpu.memory_space<vmem>> -> memref<128x128xf32, #tpu.memory_space<vmem>>
    %dma_wait3A_349 = arith.constant 0 : i32
    %dma_wait3A_350 = tpu.memref_slice %arg5[%dma_wait3A_343, %dma_wait3A_349] : memref<50x128xi32, #tpu.memory_space<vmem>> -> memref<1x128xi32, #tpu.memory_space<vmem>>
    %dma_wait3A_351 = tpu.memref_squeeze %dma_wait3A_350 : memref<1x128xi32, #tpu.memory_space<vmem>> -> memref<128xi32, #tpu.memory_space<vmem>>
    %dma_wait3A_352 = arith.constant 0 : i32
    %dma_wait3A_353 = arith.constant 0 : i32
    %dma_wait3A_354 = tpu.memref_slice %arg3[%dma_wait3A_352, %dma_wait3A_353] : memref<100000x128xf32, #tpu.memory_space<hbm>> -> memref<100000x128xf32, #tpu.memory_space<hbm>>
    tpu.wait_indirect_dma semaphore(%arg14 : memref<!tpu.dma_semaphore, #tpu.memory_space<semaphore_mem>>) src(%dma_wait3A_354 : memref<100000x128xf32, #tpu.memory_space<hbm>>) dst(%dma_wait3A_348 : memref<128x128xf32, #tpu.memory_space<vmem>>)
    %dma_start3A_355 = arith.constant 43 : i32
    %dma_start3A_356 = arith.constant 0 : i32
    %dma_start3A_357 = tpu.memref_slice %arg4[%dma_start3A_355, %mul3A_2, %dma_start3A_356] : memref<50x4096x128xf32, #tpu.memory_space<hbm>> -> memref<1x128x128xf32, #tpu.memory_space<hbm>>
    %dma_start3A_358 = arith.constant 43 : i32
    %dma_start3A_359 = arith.constant 0 : i32
    %dma_start3A_360 = tpu.memref_slice %arg4[%dma_start3A_358, %mul3A_2, %dma_start3A_359] : memref<50x4096x128xf32, #tpu.memory_space<hbm>> -> memref<1x128x128xf32, #tpu.memory_space<hbm>>
    tpu.enqueue_dma source(%arg7 : memref<1x128x128xf32, #tpu.memory_space<vmem>>) target(%dma_start3A_360 : memref<1x128x128xf32, #tpu.memory_space<hbm>>) target_semaphore(%arg21 : memref<!tpu.dma_semaphore, #tpu.memory_space<semaphore_mem>>)
    %dma_wait3A_361 = arith.constant 41 : i32
    %dma_wait3A_362 = arith.constant 0 : i32
    %dma_wait3A_363 = tpu.memref_slice %arg4[%dma_wait3A_361, %mul3A_2, %dma_wait3A_362] : memref<50x4096x128xf32, #tpu.memory_space<hbm>> -> memref<1x128x128xf32, #tpu.memory_space<hbm>>
    %dma_wait3A_364 = arith.constant 41 : i32
    %dma_wait3A_365 = arith.constant 0 : i32
    %dma_wait3A_366 = tpu.memref_slice %arg4[%dma_wait3A_364, %mul3A_2, %dma_wait3A_365] : memref<50x4096x128xf32, #tpu.memory_space<hbm>> -> memref<1x128x128xf32, #tpu.memory_space<hbm>>
    tpu.wait_dma2 semaphore(%arg26 : memref<!tpu.dma_semaphore, #tpu.memory_space<semaphore_mem>>) src(%arg12 : memref<1x128x128xf32, #tpu.memory_space<vmem>>) dst(%dma_wait3A_366 : memref<1x128x128xf32, #tpu.memory_space<hbm>>)
    %dma_start3A_367 = arith.constant 48 : i32
    %dma_start3A_368 = arith.constant 0 : i32
    %dma_start3A_369 = arith.constant 0 : i32
    %dma_start3A_370 = arith.constant 0 : i32
    %dma_start3A_371 = tpu.memref_slice %arg12[%dma_start3A_368, %dma_start3A_369, %dma_start3A_370] : memref<1x128x128xf32, #tpu.memory_space<vmem>> -> memref<1x128x128xf32, #tpu.memory_space<vmem>>
    %dma_start3A_372 = tpu.memref_squeeze %dma_start3A_371 : memref<1x128x128xf32, #tpu.memory_space<vmem>> -> memref<128x128xf32, #tpu.memory_space<vmem>>
    %dma_start3A_373 = arith.constant 0 : i32
    %dma_start3A_374 = tpu.memref_slice %arg5[%dma_start3A_367, %dma_start3A_373] : memref<50x128xi32, #tpu.memory_space<vmem>> -> memref<1x128xi32, #tpu.memory_space<vmem>>
    %dma_start3A_375 = tpu.memref_squeeze %dma_start3A_374 : memref<1x128xi32, #tpu.memory_space<vmem>> -> memref<128xi32, #tpu.memory_space<vmem>>
    %dma_start3A_376 = arith.constant 0 : i32
    %dma_start3A_377 = arith.constant 0 : i32
    %dma_start3A_378 = tpu.memref_slice %arg3[%dma_start3A_376, %dma_start3A_377] : memref<100000x128xf32, #tpu.memory_space<hbm>> -> memref<100000x128xf32, #tpu.memory_space<hbm>>
    tpu.enqueue_indirect_dma source(%dma_start3A_378 : memref<100000x128xf32, #tpu.memory_space<hbm>>) target(%dma_start3A_372 : memref<128x128xf32, #tpu.memory_space<vmem>>) offsets(%dma_start3A_375 : memref<128xi32, #tpu.memory_space<vmem>>) semaphore(%arg19 : memref<!tpu.dma_semaphore, #tpu.memory_space<semaphore_mem>>)
    %dma_wait3A_379 = arith.constant 44 : i32
    %dma_wait3A_380 = arith.constant 0 : i32
    %dma_wait3A_381 = arith.constant 0 : i32
    %dma_wait3A_382 = arith.constant 0 : i32
    %dma_wait3A_383 = tpu.memref_slice %arg8[%dma_wait3A_380, %dma_wait3A_381, %dma_wait3A_382] : memref<1x128x128xf32, #tpu.memory_space<vmem>> -> memref<1x128x128xf32, #tpu.memory_space<vmem>>
    %dma_wait3A_384 = tpu.memref_squeeze %dma_wait3A_383 : memref<1x128x128xf32, #tpu.memory_space<vmem>> -> memref<128x128xf32, #tpu.memory_space<vmem>>
    %dma_wait3A_385 = arith.constant 0 : i32
    %dma_wait3A_386 = tpu.memref_slice %arg5[%dma_wait3A_379, %dma_wait3A_385] : memref<50x128xi32, #tpu.memory_space<vmem>> -> memref<1x128xi32, #tpu.memory_space<vmem>>
    %dma_wait3A_387 = tpu.memref_squeeze %dma_wait3A_386 : memref<1x128xi32, #tpu.memory_space<vmem>> -> memref<128xi32, #tpu.memory_space<vmem>>
    %dma_wait3A_388 = arith.constant 0 : i32
    %dma_wait3A_389 = arith.constant 0 : i32
    %dma_wait3A_390 = tpu.memref_slice %arg3[%dma_wait3A_388, %dma_wait3A_389] : memref<100000x128xf32, #tpu.memory_space<hbm>> -> memref<100000x128xf32, #tpu.memory_space<hbm>>
    tpu.wait_indirect_dma semaphore(%arg15 : memref<!tpu.dma_semaphore, #tpu.memory_space<semaphore_mem>>) src(%dma_wait3A_390 : memref<100000x128xf32, #tpu.memory_space<hbm>>) dst(%dma_wait3A_384 : memref<128x128xf32, #tpu.memory_space<vmem>>)
    %dma_start3A_391 = arith.constant 44 : i32
    %dma_start3A_392 = arith.constant 0 : i32
    %dma_start3A_393 = tpu.memref_slice %arg4[%dma_start3A_391, %mul3A_2, %dma_start3A_392] : memref<50x4096x128xf32, #tpu.memory_space<hbm>> -> memref<1x128x128xf32, #tpu.memory_space<hbm>>
    %dma_start3A_394 = arith.constant 44 : i32
    %dma_start3A_395 = arith.constant 0 : i32
    %dma_start3A_396 = tpu.memref_slice %arg4[%dma_start3A_394, %mul3A_2, %dma_start3A_395] : memref<50x4096x128xf32, #tpu.memory_space<hbm>> -> memref<1x128x128xf32, #tpu.memory_space<hbm>>
    tpu.enqueue_dma source(%arg8 : memref<1x128x128xf32, #tpu.memory_space<vmem>>) target(%dma_start3A_396 : memref<1x128x128xf32, #tpu.memory_space<hbm>>) target_semaphore(%arg22 : memref<!tpu.dma_semaphore, #tpu.memory_space<semaphore_mem>>)
    %dma_wait3A_397 = arith.constant 42 : i32
    %dma_wait3A_398 = arith.constant 0 : i32
    %dma_wait3A_399 = tpu.memref_slice %arg4[%dma_wait3A_397, %mul3A_2, %dma_wait3A_398] : memref<50x4096x128xf32, #tpu.memory_space<hbm>> -> memref<1x128x128xf32, #tpu.memory_space<hbm>>
    %dma_wait3A_400 = arith.constant 42 : i32
    %dma_wait3A_401 = arith.constant 0 : i32
    %dma_wait3A_402 = tpu.memref_slice %arg4[%dma_wait3A_400, %mul3A_2, %dma_wait3A_401] : memref<50x4096x128xf32, #tpu.memory_space<hbm>> -> memref<1x128x128xf32, #tpu.memory_space<hbm>>
    tpu.wait_dma2 semaphore(%arg20 : memref<!tpu.dma_semaphore, #tpu.memory_space<semaphore_mem>>) src(%arg6 : memref<1x128x128xf32, #tpu.memory_space<vmem>>) dst(%dma_wait3A_402 : memref<1x128x128xf32, #tpu.memory_space<hbm>>)
    %dma_start3A_403 = arith.constant 49 : i32
    %dma_start3A_404 = arith.constant 0 : i32
    %dma_start3A_405 = arith.constant 0 : i32
    %dma_start3A_406 = arith.constant 0 : i32
    %dma_start3A_407 = tpu.memref_slice %arg6[%dma_start3A_404, %dma_start3A_405, %dma_start3A_406] : memref<1x128x128xf32, #tpu.memory_space<vmem>> -> memref<1x128x128xf32, #tpu.memory_space<vmem>>
    %dma_start3A_408 = tpu.memref_squeeze %dma_start3A_407 : memref<1x128x128xf32, #tpu.memory_space<vmem>> -> memref<128x128xf32, #tpu.memory_space<vmem>>
    %dma_start3A_409 = arith.constant 0 : i32
    %dma_start3A_410 = tpu.memref_slice %arg5[%dma_start3A_403, %dma_start3A_409] : memref<50x128xi32, #tpu.memory_space<vmem>> -> memref<1x128xi32, #tpu.memory_space<vmem>>
    %dma_start3A_411 = tpu.memref_squeeze %dma_start3A_410 : memref<1x128xi32, #tpu.memory_space<vmem>> -> memref<128xi32, #tpu.memory_space<vmem>>
    %dma_start3A_412 = arith.constant 0 : i32
    %dma_start3A_413 = arith.constant 0 : i32
    %dma_start3A_414 = tpu.memref_slice %arg3[%dma_start3A_412, %dma_start3A_413] : memref<100000x128xf32, #tpu.memory_space<hbm>> -> memref<100000x128xf32, #tpu.memory_space<hbm>>
    tpu.enqueue_indirect_dma source(%dma_start3A_414 : memref<100000x128xf32, #tpu.memory_space<hbm>>) target(%dma_start3A_408 : memref<128x128xf32, #tpu.memory_space<vmem>>) offsets(%dma_start3A_411 : memref<128xi32, #tpu.memory_space<vmem>>) semaphore(%arg13 : memref<!tpu.dma_semaphore, #tpu.memory_space<semaphore_mem>>)
    %dma_wait3A_415 = arith.constant 45 : i32
    %dma_wait3A_416 = arith.constant 0 : i32
    %dma_wait3A_417 = arith.constant 0 : i32
    %dma_wait3A_418 = arith.constant 0 : i32
    %dma_wait3A_419 = tpu.memref_slice %arg9[%dma_wait3A_416, %dma_wait3A_417, %dma_wait3A_418] : memref<1x128x128xf32, #tpu.memory_space<vmem>> -> memref<1x128x128xf32, #tpu.memory_space<vmem>>
    %dma_wait3A_420 = tpu.memref_squeeze %dma_wait3A_419 : memref<1x128x128xf32, #tpu.memory_space<vmem>> -> memref<128x128xf32, #tpu.memory_space<vmem>>
    %dma_wait3A_421 = arith.constant 0 : i32
    %dma_wait3A_422 = tpu.memref_slice %arg5[%dma_wait3A_415, %dma_wait3A_421] : memref<50x128xi32, #tpu.memory_space<vmem>> -> memref<1x128xi32, #tpu.memory_space<vmem>>
    %dma_wait3A_423 = tpu.memref_squeeze %dma_wait3A_422 : memref<1x128xi32, #tpu.memory_space<vmem>> -> memref<128xi32, #tpu.memory_space<vmem>>
    %dma_wait3A_424 = arith.constant 0 : i32
    %dma_wait3A_425 = arith.constant 0 : i32
    %dma_wait3A_426 = tpu.memref_slice %arg3[%dma_wait3A_424, %dma_wait3A_425] : memref<100000x128xf32, #tpu.memory_space<hbm>> -> memref<100000x128xf32, #tpu.memory_space<hbm>>
    tpu.wait_indirect_dma semaphore(%arg16 : memref<!tpu.dma_semaphore, #tpu.memory_space<semaphore_mem>>) src(%dma_wait3A_426 : memref<100000x128xf32, #tpu.memory_space<hbm>>) dst(%dma_wait3A_420 : memref<128x128xf32, #tpu.memory_space<vmem>>)
    %dma_start3A_427 = arith.constant 45 : i32
    %dma_start3A_428 = arith.constant 0 : i32
    %dma_start3A_429 = tpu.memref_slice %arg4[%dma_start3A_427, %mul3A_2, %dma_start3A_428] : memref<50x4096x128xf32, #tpu.memory_space<hbm>> -> memref<1x128x128xf32, #tpu.memory_space<hbm>>
    %dma_start3A_430 = arith.constant 45 : i32
    %dma_start3A_431 = arith.constant 0 : i32
    %dma_start3A_432 = tpu.memref_slice %arg4[%dma_start3A_430, %mul3A_2, %dma_start3A_431] : memref<50x4096x128xf32, #tpu.memory_space<hbm>> -> memref<1x128x128xf32, #tpu.memory_space<hbm>>
    tpu.enqueue_dma source(%arg9 : memref<1x128x128xf32, #tpu.memory_space<vmem>>) target(%dma_start3A_432 : memref<1x128x128xf32, #tpu.memory_space<hbm>>) target_semaphore(%arg23 : memref<!tpu.dma_semaphore, #tpu.memory_space<semaphore_mem>>)
    %dma_wait3A_433 = arith.constant 46 : i32
    %dma_wait3A_434 = arith.constant 0 : i32
    %dma_wait3A_435 = arith.constant 0 : i32
    %dma_wait3A_436 = arith.constant 0 : i32
    %dma_wait3A_437 = tpu.memref_slice %arg10[%dma_wait3A_434, %dma_wait3A_435, %dma_wait3A_436] : memref<1x128x128xf32, #tpu.memory_space<vmem>> -> memref<1x128x128xf32, #tpu.memory_space<vmem>>
    %dma_wait3A_438 = tpu.memref_squeeze %dma_wait3A_437 : memref<1x128x128xf32, #tpu.memory_space<vmem>> -> memref<128x128xf32, #tpu.memory_space<vmem>>
    %dma_wait3A_439 = arith.constant 0 : i32
    %dma_wait3A_440 = tpu.memref_slice %arg5[%dma_wait3A_433, %dma_wait3A_439] : memref<50x128xi32, #tpu.memory_space<vmem>> -> memref<1x128xi32, #tpu.memory_space<vmem>>
    %dma_wait3A_441 = tpu.memref_squeeze %dma_wait3A_440 : memref<1x128xi32, #tpu.memory_space<vmem>> -> memref<128xi32, #tpu.memory_space<vmem>>
    %dma_wait3A_442 = arith.constant 0 : i32
    %dma_wait3A_443 = arith.constant 0 : i32
    %dma_wait3A_444 = tpu.memref_slice %arg3[%dma_wait3A_442, %dma_wait3A_443] : memref<100000x128xf32, #tpu.memory_space<hbm>> -> memref<100000x128xf32, #tpu.memory_space<hbm>>
    tpu.wait_indirect_dma semaphore(%arg17 : memref<!tpu.dma_semaphore, #tpu.memory_space<semaphore_mem>>) src(%dma_wait3A_444 : memref<100000x128xf32, #tpu.memory_space<hbm>>) dst(%dma_wait3A_438 : memref<128x128xf32, #tpu.memory_space<vmem>>)
    %dma_start3A_445 = arith.constant 46 : i32
    %dma_start3A_446 = arith.constant 0 : i32
    %dma_start3A_447 = tpu.memref_slice %arg4[%dma_start3A_445, %mul3A_2, %dma_start3A_446] : memref<50x4096x128xf32, #tpu.memory_space<hbm>> -> memref<1x128x128xf32, #tpu.memory_space<hbm>>
    %dma_start3A_448 = arith.constant 46 : i32
    %dma_start3A_449 = arith.constant 0 : i32
    %dma_start3A_450 = tpu.memref_slice %arg4[%dma_start3A_448, %mul3A_2, %dma_start3A_449] : memref<50x4096x128xf32, #tpu.memory_space<hbm>> -> memref<1x128x128xf32, #tpu.memory_space<hbm>>
    tpu.enqueue_dma source(%arg10 : memref<1x128x128xf32, #tpu.memory_space<vmem>>) target(%dma_start3A_450 : memref<1x128x128xf32, #tpu.memory_space<hbm>>) target_semaphore(%arg24 : memref<!tpu.dma_semaphore, #tpu.memory_space<semaphore_mem>>)
    %dma_wait3A_451 = arith.constant 47 : i32
    %dma_wait3A_452 = arith.constant 0 : i32
    %dma_wait3A_453 = arith.constant 0 : i32
    %dma_wait3A_454 = arith.constant 0 : i32
    %dma_wait3A_455 = tpu.memref_slice %arg11[%dma_wait3A_452, %dma_wait3A_453, %dma_wait3A_454] : memref<1x128x128xf32, #tpu.memory_space<vmem>> -> memref<1x128x128xf32, #tpu.memory_space<vmem>>
    %dma_wait3A_456 = tpu.memref_squeeze %dma_wait3A_455 : memref<1x128x128xf32, #tpu.memory_space<vmem>> -> memref<128x128xf32, #tpu.memory_space<vmem>>
    %dma_wait3A_457 = arith.constant 0 : i32
    %dma_wait3A_458 = tpu.memref_slice %arg5[%dma_wait3A_451, %dma_wait3A_457] : memref<50x128xi32, #tpu.memory_space<vmem>> -> memref<1x128xi32, #tpu.memory_space<vmem>>
    %dma_wait3A_459 = tpu.memref_squeeze %dma_wait3A_458 : memref<1x128xi32, #tpu.memory_space<vmem>> -> memref<128xi32, #tpu.memory_space<vmem>>
    %dma_wait3A_460 = arith.constant 0 : i32
    %dma_wait3A_461 = arith.constant 0 : i32
    %dma_wait3A_462 = tpu.memref_slice %arg3[%dma_wait3A_460, %dma_wait3A_461] : memref<100000x128xf32, #tpu.memory_space<hbm>> -> memref<100000x128xf32, #tpu.memory_space<hbm>>
    tpu.wait_indirect_dma semaphore(%arg18 : memref<!tpu.dma_semaphore, #tpu.memory_space<semaphore_mem>>) src(%dma_wait3A_462 : memref<100000x128xf32, #tpu.memory_space<hbm>>) dst(%dma_wait3A_456 : memref<128x128xf32, #tpu.memory_space<vmem>>)
    %dma_start3A_463 = arith.constant 47 : i32
    %dma_start3A_464 = arith.constant 0 : i32
    %dma_start3A_465 = tpu.memref_slice %arg4[%dma_start3A_463, %mul3A_2, %dma_start3A_464] : memref<50x4096x128xf32, #tpu.memory_space<hbm>> -> memref<1x128x128xf32, #tpu.memory_space<hbm>>
    %dma_start3A_466 = arith.constant 47 : i32
    %dma_start3A_467 = arith.constant 0 : i32
    %dma_start3A_468 = tpu.memref_slice %arg4[%dma_start3A_466, %mul3A_2, %dma_start3A_467] : memref<50x4096x128xf32, #tpu.memory_space<hbm>> -> memref<1x128x128xf32, #tpu.memory_space<hbm>>
    tpu.enqueue_dma source(%arg11 : memref<1x128x128xf32, #tpu.memory_space<vmem>>) target(%dma_start3A_468 : memref<1x128x128xf32, #tpu.memory_space<hbm>>) target_semaphore(%arg25 : memref<!tpu.dma_semaphore, #tpu.memory_space<semaphore_mem>>)
    %dma_wait3A_469 = arith.constant 48 : i32
    %dma_wait3A_470 = arith.constant 0 : i32
    %dma_wait3A_471 = arith.constant 0 : i32
    %dma_wait3A_472 = arith.constant 0 : i32
    %dma_wait3A_473 = tpu.memref_slice %arg12[%dma_wait3A_470, %dma_wait3A_471, %dma_wait3A_472] : memref<1x128x128xf32, #tpu.memory_space<vmem>> -> memref<1x128x128xf32, #tpu.memory_space<vmem>>
    %dma_wait3A_474 = tpu.memref_squeeze %dma_wait3A_473 : memref<1x128x128xf32, #tpu.memory_space<vmem>> -> memref<128x128xf32, #tpu.memory_space<vmem>>
    %dma_wait3A_475 = arith.constant 0 : i32
    %dma_wait3A_476 = tpu.memref_slice %arg5[%dma_wait3A_469, %dma_wait3A_475] : memref<50x128xi32, #tpu.memory_space<vmem>> -> memref<1x128xi32, #tpu.memory_space<vmem>>
    %dma_wait3A_477 = tpu.memref_squeeze %dma_wait3A_476 : memref<1x128xi32, #tpu.memory_space<vmem>> -> memref<128xi32, #tpu.memory_space<vmem>>
    %dma_wait3A_478 = arith.constant 0 : i32
    %dma_wait3A_479 = arith.constant 0 : i32
    %dma_wait3A_480 = tpu.memref_slice %arg3[%dma_wait3A_478, %dma_wait3A_479] : memref<100000x128xf32, #tpu.memory_space<hbm>> -> memref<100000x128xf32, #tpu.memory_space<hbm>>
    tpu.wait_indirect_dma semaphore(%arg19 : memref<!tpu.dma_semaphore, #tpu.memory_space<semaphore_mem>>) src(%dma_wait3A_480 : memref<100000x128xf32, #tpu.memory_space<hbm>>) dst(%dma_wait3A_474 : memref<128x128xf32, #tpu.memory_space<vmem>>)
    %dma_start3A_481 = arith.constant 48 : i32
    %dma_start3A_482 = arith.constant 0 : i32
    %dma_start3A_483 = tpu.memref_slice %arg4[%dma_start3A_481, %mul3A_2, %dma_start3A_482] : memref<50x4096x128xf32, #tpu.memory_space<hbm>> -> memref<1x128x128xf32, #tpu.memory_space<hbm>>
    %dma_start3A_484 = arith.constant 48 : i32
    %dma_start3A_485 = arith.constant 0 : i32
    %dma_start3A_486 = tpu.memref_slice %arg4[%dma_start3A_484, %mul3A_2, %dma_start3A_485] : memref<50x4096x128xf32, #tpu.memory_space<hbm>> -> memref<1x128x128xf32, #tpu.memory_space<hbm>>
    tpu.enqueue_dma source(%arg12 : memref<1x128x128xf32, #tpu.memory_space<vmem>>) target(%dma_start3A_486 : memref<1x128x128xf32, #tpu.memory_space<hbm>>) target_semaphore(%arg26 : memref<!tpu.dma_semaphore, #tpu.memory_space<semaphore_mem>>)
    %dma_wait3A_487 = arith.constant 49 : i32
    %dma_wait3A_488 = arith.constant 0 : i32
    %dma_wait3A_489 = arith.constant 0 : i32
    %dma_wait3A_490 = arith.constant 0 : i32
    %dma_wait3A_491 = tpu.memref_slice %arg6[%dma_wait3A_488, %dma_wait3A_489, %dma_wait3A_490] : memref<1x128x128xf32, #tpu.memory_space<vmem>> -> memref<1x128x128xf32, #tpu.memory_space<vmem>>
    %dma_wait3A_492 = tpu.memref_squeeze %dma_wait3A_491 : memref<1x128x128xf32, #tpu.memory_space<vmem>> -> memref<128x128xf32, #tpu.memory_space<vmem>>
    %dma_wait3A_493 = arith.constant 0 : i32
    %dma_wait3A_494 = tpu.memref_slice %arg5[%dma_wait3A_487, %dma_wait3A_493] : memref<50x128xi32, #tpu.memory_space<vmem>> -> memref<1x128xi32, #tpu.memory_space<vmem>>
    %dma_wait3A_495 = tpu.memref_squeeze %dma_wait3A_494 : memref<1x128xi32, #tpu.memory_space<vmem>> -> memref<128xi32, #tpu.memory_space<vmem>>
    %dma_wait3A_496 = arith.constant 0 : i32
    %dma_wait3A_497 = arith.constant 0 : i32
    %dma_wait3A_498 = tpu.memref_slice %arg3[%dma_wait3A_496, %dma_wait3A_497] : memref<100000x128xf32, #tpu.memory_space<hbm>> -> memref<100000x128xf32, #tpu.memory_space<hbm>>
    tpu.wait_indirect_dma semaphore(%arg13 : memref<!tpu.dma_semaphore, #tpu.memory_space<semaphore_mem>>) src(%dma_wait3A_498 : memref<100000x128xf32, #tpu.memory_space<hbm>>) dst(%dma_wait3A_492 : memref<128x128xf32, #tpu.memory_space<vmem>>)
    %dma_start3A_499 = arith.constant 49 : i32
    %dma_start3A_500 = arith.constant 0 : i32
    %dma_start3A_501 = tpu.memref_slice %arg4[%dma_start3A_499, %mul3A_2, %dma_start3A_500] : memref<50x4096x128xf32, #tpu.memory_space<hbm>> -> memref<1x128x128xf32, #tpu.memory_space<hbm>>
    %dma_start3A_502 = arith.constant 49 : i32
    %dma_start3A_503 = arith.constant 0 : i32
    %dma_start3A_504 = tpu.memref_slice %arg4[%dma_start3A_502, %mul3A_2, %dma_start3A_503] : memref<50x4096x128xf32, #tpu.memory_space<hbm>> -> memref<1x128x128xf32, #tpu.memory_space<hbm>>
    tpu.enqueue_dma source(%arg6 : memref<1x128x128xf32, #tpu.memory_space<vmem>>) target(%dma_start3A_504 : memref<1x128x128xf32, #tpu.memory_space<hbm>>) target_semaphore(%arg20 : memref<!tpu.dma_semaphore, #tpu.memory_space<semaphore_mem>>)
    %dma_wait3A_505 = arith.constant 43 : i32
    %dma_wait3A_506 = arith.constant 0 : i32
    %dma_wait3A_507 = tpu.memref_slice %arg4[%dma_wait3A_505, %mul3A_2, %dma_wait3A_506] : memref<50x4096x128xf32, #tpu.memory_space<hbm>> -> memref<1x128x128xf32, #tpu.memory_space<hbm>>
    %dma_wait3A_508 = arith.constant 43 : i32
    %dma_wait3A_509 = arith.constant 0 : i32
    %dma_wait3A_510 = tpu.memref_slice %arg4[%dma_wait3A_508, %mul3A_2, %dma_wait3A_509] : memref<50x4096x128xf32, #tpu.memory_space<hbm>> -> memref<1x128x128xf32, #tpu.memory_space<hbm>>
    tpu.wait_dma2 semaphore(%arg21 : memref<!tpu.dma_semaphore, #tpu.memory_space<semaphore_mem>>) src(%arg7 : memref<1x128x128xf32, #tpu.memory_space<vmem>>) dst(%dma_wait3A_510 : memref<1x128x128xf32, #tpu.memory_space<hbm>>)
    %dma_wait3A_511 = arith.constant 44 : i32
    %dma_wait3A_512 = arith.constant 0 : i32
    %dma_wait3A_513 = tpu.memref_slice %arg4[%dma_wait3A_511, %mul3A_2, %dma_wait3A_512] : memref<50x4096x128xf32, #tpu.memory_space<hbm>> -> memref<1x128x128xf32, #tpu.memory_space<hbm>>
    %dma_wait3A_514 = arith.constant 44 : i32
    %dma_wait3A_515 = arith.constant 0 : i32
    %dma_wait3A_516 = tpu.memref_slice %arg4[%dma_wait3A_514, %mul3A_2, %dma_wait3A_515] : memref<50x4096x128xf32, #tpu.memory_space<hbm>> -> memref<1x128x128xf32, #tpu.memory_space<hbm>>
    tpu.wait_dma2 semaphore(%arg22 : memref<!tpu.dma_semaphore, #tpu.memory_space<semaphore_mem>>) src(%arg8 : memref<1x128x128xf32, #tpu.memory_space<vmem>>) dst(%dma_wait3A_516 : memref<1x128x128xf32, #tpu.memory_space<hbm>>)
    %dma_wait3A_517 = arith.constant 45 : i32
    %dma_wait3A_518 = arith.constant 0 : i32
    %dma_wait3A_519 = tpu.memref_slice %arg4[%dma_wait3A_517, %mul3A_2, %dma_wait3A_518] : memref<50x4096x128xf32, #tpu.memory_space<hbm>> -> memref<1x128x128xf32, #tpu.memory_space<hbm>>
    %dma_wait3A_520 = arith.constant 45 : i32
    %dma_wait3A_521 = arith.constant 0 : i32
    %dma_wait3A_522 = tpu.memref_slice %arg4[%dma_wait3A_520, %mul3A_2, %dma_wait3A_521] : memref<50x4096x128xf32, #tpu.memory_space<hbm>> -> memref<1x128x128xf32, #tpu.memory_space<hbm>>
    tpu.wait_dma2 semaphore(%arg23 : memref<!tpu.dma_semaphore, #tpu.memory_space<semaphore_mem>>) src(%arg9 : memref<1x128x128xf32, #tpu.memory_space<vmem>>) dst(%dma_wait3A_522 : memref<1x128x128xf32, #tpu.memory_space<hbm>>)
    %dma_wait3A_523 = arith.constant 46 : i32
    %dma_wait3A_524 = arith.constant 0 : i32
    %dma_wait3A_525 = tpu.memref_slice %arg4[%dma_wait3A_523, %mul3A_2, %dma_wait3A_524] : memref<50x4096x128xf32, #tpu.memory_space<hbm>> -> memref<1x128x128xf32, #tpu.memory_space<hbm>>
    %dma_wait3A_526 = arith.constant 46 : i32
    %dma_wait3A_527 = arith.constant 0 : i32
    %dma_wait3A_528 = tpu.memref_slice %arg4[%dma_wait3A_526, %mul3A_2, %dma_wait3A_527] : memref<50x4096x128xf32, #tpu.memory_space<hbm>> -> memref<1x128x128xf32, #tpu.memory_space<hbm>>
    tpu.wait_dma2 semaphore(%arg24 : memref<!tpu.dma_semaphore, #tpu.memory_space<semaphore_mem>>) src(%arg10 : memref<1x128x128xf32, #tpu.memory_space<vmem>>) dst(%dma_wait3A_528 : memref<1x128x128xf32, #tpu.memory_space<hbm>>)
    %dma_wait3A_529 = arith.constant 47 : i32
    %dma_wait3A_530 = arith.constant 0 : i32
    %dma_wait3A_531 = tpu.memref_slice %arg4[%dma_wait3A_529, %mul3A_2, %dma_wait3A_530] : memref<50x4096x128xf32, #tpu.memory_space<hbm>> -> memref<1x128x128xf32, #tpu.memory_space<hbm>>
    %dma_wait3A_532 = arith.constant 47 : i32
    %dma_wait3A_533 = arith.constant 0 : i32
    %dma_wait3A_534 = tpu.memref_slice %arg4[%dma_wait3A_532, %mul3A_2, %dma_wait3A_533] : memref<50x4096x128xf32, #tpu.memory_space<hbm>> -> memref<1x128x128xf32, #tpu.memory_space<hbm>>
    tpu.wait_dma2 semaphore(%arg25 : memref<!tpu.dma_semaphore, #tpu.memory_space<semaphore_mem>>) src(%arg11 : memref<1x128x128xf32, #tpu.memory_space<vmem>>) dst(%dma_wait3A_534 : memref<1x128x128xf32, #tpu.memory_space<hbm>>)
    %dma_wait3A_535 = arith.constant 48 : i32
    %dma_wait3A_536 = arith.constant 0 : i32
    %dma_wait3A_537 = tpu.memref_slice %arg4[%dma_wait3A_535, %mul3A_2, %dma_wait3A_536] : memref<50x4096x128xf32, #tpu.memory_space<hbm>> -> memref<1x128x128xf32, #tpu.memory_space<hbm>>
    %dma_wait3A_538 = arith.constant 48 : i32
    %dma_wait3A_539 = arith.constant 0 : i32
    %dma_wait3A_540 = tpu.memref_slice %arg4[%dma_wait3A_538, %mul3A_2, %dma_wait3A_539] : memref<50x4096x128xf32, #tpu.memory_space<hbm>> -> memref<1x128x128xf32, #tpu.memory_space<hbm>>
    tpu.wait_dma2 semaphore(%arg26 : memref<!tpu.dma_semaphore, #tpu.memory_space<semaphore_mem>>) src(%arg12 : memref<1x128x128xf32, #tpu.memory_space<vmem>>) dst(%dma_wait3A_540 : memref<1x128x128xf32, #tpu.memory_space<hbm>>)
    %dma_wait3A_541 = arith.constant 49 : i32
    %dma_wait3A_542 = arith.constant 0 : i32
    %dma_wait3A_543 = tpu.memref_slice %arg4[%dma_wait3A_541, %mul3A_2, %dma_wait3A_542] : memref<50x4096x128xf32, #tpu.memory_space<hbm>> -> memref<1x128x128xf32, #tpu.memory_space<hbm>>
    %dma_wait3A_544 = arith.constant 49 : i32
    %dma_wait3A_545 = arith.constant 0 : i32
    %dma_wait3A_546 = tpu.memref_slice %arg4[%dma_wait3A_544, %mul3A_2, %dma_wait3A_545] : memref<50x4096x128xf32, #tpu.memory_space<hbm>> -> memref<1x128x128xf32, #tpu.memory_space<hbm>>
    tpu.wait_dma2 semaphore(%arg20 : memref<!tpu.dma_semaphore, #tpu.memory_space<semaphore_mem>>) src(%arg6 : memref<1x128x128xf32, #tpu.memory_space<vmem>>) dst(%dma_wait3A_546 : memref<1x128x128xf32, #tpu.memory_space<hbm>>)
    return
  }
}

</mosaic_0001>

<sc_bundles>
// kernel: _embed.3.cloned.1.call-start
scs
__scs_entry_jumppad:
0x0: {  	(pc) =	sbr.rel $0x88, $3  }
0x1: {  	(tag) =	ssettag $0x0;
	lr =	simm.s32 $0x1  }
0x2: {  	[smem:$0x3F9F] =	sst lr;
	_ =	strace $0xD0000000  }
0x3: {  	_ = 	snop  }
0x4: {  	_ = 	snop  }
0x5: {  	_ = 	snop  }
0x6: {  	_ = 	snop  }
0x7: {  	_ = 	snop  }
__scs_overlays_trampoline_lowered:
0x8: {  	[smem:$0x3FAE] =	sst s0  }
0x9: {  	[smem:$0x3FAF] =	sst s1  }
0xa: {  	[smem:$0x3FB0] =	sst s2  }
0xb: {  	[smem:$0x3FB1] =	sst s3  }
0xc: {  	[smem:$0x3FB2] =	sst s4  }
0xd: {  	[smem:$0x3FB3] =	sst s5  }
0xe: {  	[smem:$0x3FB4] =	sst s6  }
0xf: {  	[smem:$0x3FB5] =	sst s7  }
0x10: {  	[smem:$0x3FB6] =	sst s8  }
0x11: {  	[smem:$0x3FB7] =	sst s9;
	s0 =	simm.s32 @!p0 $0x0  }
0x12: {  	s1 =	sld [smem:$0x3F9D];
	s0 =	simm.s32 @p0 $0x1  }
0x13: {  	[smem:$0x3FB8] =	sst s0;
	s0 =	simm.s32 @!p1 $0x0  }
0x14: {  	s2 =	sld [smem:$0x3F9C];
	s0 =	simm.s32 @p1 $0x1  }
0x15: {  	[smem:$0x3FB9] =	sst s0;
	s0 =	simm.s32 @!p2 $0x0  }
0x16: {  	s3 =	sld [smem:$0x3FDB];
	s0 =	simm.s32 @p2 $0x1  }
0x17: {  	s4 =	simm.s32 $0x1BF5;
	[smem:$0x3FBB] =	sst s0  }
0x18: {  	s0 =	sld [smem:$0x3F9E];
	_ =	swait.ge [sflag:s4], $0x0  }
0x19: {  	s7 =	sld [smem:$0x3F9F]  }
0x1a: {  	s8 =	sadd.s32 $0xFFFFE003, lr  }
0x1b: {  	s9 =	sadd.s32 $0xFFFFFEF7, lr;
	s5 =	simm.s32 $0xFFFFFFFF;
	p2 =	slt.u32 s8, $0xFFFFF086  }
0x1c: {  	p1 =	slt.u32 s9, $0xF7A;
	s5 =	simm.s32 @!p2 $0x0  }
0x1d: {  	s5 =	simm.s32 @p1 $0x1;
	p0 =	seq.s32 s7, s2  }
0x1e: {  	s7 =	smul.u32 @!p0 $0xF7A, s2;
	p2 =	seq.s32 @!p0 s5, $0x0  }
0x1f: {  	s9 =	smul.u32 $0xF7A, s1;
	s8 =	simm.s32 @!p0 $0x1BF5;
	p2 =	por !p2, p0  }
0x20: {  	[sflag:s8] =	ssyncset.s32 @!p0 $0xFFFFF086;
	s6 =	sadd.s32 @!p0 s3, s7;
	s7 =	simm.s32 @!p0 $0x108  }
0x21: {  	s3 =	sadd.s32 s3, s9;
	s6 =	sadd.s32 @!p0 $0x88, s6;
	s7 =	simm.s32 @p2 $0x1082  }
0x22: {  	[simem:s7], [sflag:s8] =	dma.local @!p0 [hbm:s6], $0xF7A  }
0x23: {  	s9 =	sor.u32 $0xD0000000, s2;
	s6 =	simm.s32 $0x108;
	_ =	swait.ge @!p0 [sflag:s8], $0x0  }
0x24: {  	s3 =	sadd.s32 $0x88, s3;
	s6 =	simm.s32 @!p1 $0x1082;
	[sflag:s4] =	ssyncset.s32 $0xFFFFF086  }
0x25: {  	[simem:s6], [sflag:s4] =	dma.local [hbm:s3], $0xF7A  }
0x26: {  	[smem:$0x3F9F] =	sst s1;
	(tag) =	ssettag s2;
	_ =	strace s9  }
0x27: {  	s1 =	sld [smem:$0x3FAF]  }
0x28: {  	s2 =	sld [smem:$0x3FB0]  }
0x29: {  	s4 =	sld [smem:$0x3FB2]  }
0x2a: {  	p0 =	seq.s32 s5, $0x0;
	s5 =	sld [smem:$0x3FB3]  }
0x2b: {  	s6 =	sld [smem:$0x3FB4]  }
0x2c: {  	s7 =	sld [smem:$0x3FB5]  }
0x2d: {  	s3 =	simm.s32 $0x108;
	s8 =	sld [smem:$0x3FB6]  }
0x2e: {  	s3 =	simm.s32 @!p0 $0x1082;
	s9 =	sld [smem:$0x3FB7]  }
0x2f: {  	lr =	sadd.s32 s0, s3;
	s0 =	sld [smem:$0x3FAE]  }
0x30: {  	s3 =	sld [smem:$0x3FB1]  }
0x31: {  	[smem:$0x3FBA] =	sst s10  }
0x32: {  	s10 =	sld [smem:$0x3FB8];
	_ =	sdelay $0x3  }
0x33: {  	p0 =	seq.s32 s10, $0x1;
	s10 =	sld [smem:$0x3FBA];
	_ =	sdelay $0x3  }
0x34: {  	[smem:$0x3FBA] =	sst s10  }
0x35: {  	s10 =	sld [smem:$0x3FB9];
	_ =	sdelay $0x3  }
0x36: {  	p1 =	seq.s32 s10, $0x1;
	s10 =	sld [smem:$0x3FBA];
	_ =	sdelay $0x3  }
0x37: {  	[smem:$0x3FBA] =	sst s10  }
0x38: {  	s10 =	sld [smem:$0x3FBB]  }
0x39: {  	_ = 	snop;
	(pc) =	sbr.ind lr, $3  }
0x3a: {  	_ = 	snop  }
0x3b: {  	_ = 	snop  }
0x3c: {  	p2 =	seq.s32 s10, $0x1;
	s10 =	sld [smem:$0x3FBA]  }
0x3d: {  	_ =	shalt  }
0x3e: {  	_ =	shalt  }
0x3f: {  	_ =	shalt  }
0x40: {  	_ =	shalt  }
0x41: {  	_ =	shalt  }
0x42: {  	_ =	shalt  }
0x43: {  	_ =	shalt  }
0x44: {  	_ =	shalt  }
0x45: {  	_ =	shalt  }
0x46: {  	_ =	shalt  }
0x47: {  	_ =	shalt  }
0x48: {  	_ =	shalt  }
0x49: {  	_ =	shalt  }
0x4a: {  	_ =	shalt  }
0x4b: {  	_ =	shalt  }
0x4c: {  	_ =	shalt  }
0x4d: {  	_ =	shalt  }
0x4e: {  	_ =	shalt  }
0x4f: {  	_ =	shalt  }
0x50: {  	_ =	shalt  }
0x51: {  	_ =	shalt  }
0x52: {  	_ =	shalt  }
0x53: {  	_ =	shalt  }
0x54: {  	_ =	shalt  }
0x55: {  	_ =	shalt  }
0x56: {  	_ =	shalt  }
0x57: {  	_ =	shalt  }
0x58: {  	_ =	shalt  }
0x59: {  	_ =	shalt  }
0x5a: {  	_ =	shalt  }
0x5b: {  	_ =	shalt  }
0x5c: {  	_ =	shalt  }
0x5d: {  	_ =	shalt  }
0x5e: {  	_ =	shalt  }
0x5f: {  	_ =	shalt  }
0x60: {  	_ =	shalt  }
0x61: {  	_ =	shalt  }
0x62: {  	_ =	shalt  }
0x63: {  	_ =	shalt  }
0x64: {  	_ =	shalt  }
0x65: {  	_ =	shalt  }
0x66: {  	_ =	shalt  }
0x67: {  	_ =	shalt  }
0x68: {  	_ =	shalt  }
0x69: {  	_ =	shalt  }
0x6a: {  	_ =	shalt  }
0x6b: {  	_ =	shalt  }
0x6c: {  	_ =	shalt  }
0x6d: {  	_ =	shalt  }
0x6e: {  	_ =	shalt  }
0x6f: {  	_ =	shalt  }
0x70: {  	_ =	shalt  }
0x71: {  	_ =	shalt  }
0x72: {  	_ =	shalt  }
0x73: {  	_ =	shalt  }
0x74: {  	_ =	shalt  }
0x75: {  	_ =	shalt  }
0x76: {  	_ =	shalt  }
0x77: {  	_ =	shalt  }
0x78: {  	_ =	shalt  }
0x79: {  	_ =	shalt  }
0x7a: {  	_ =	shalt  }
0x7b: {  	_ =	shalt  }
0x7c: {  	_ =	shalt  }
0x7d: {  	_ =	shalt  }
0x7e: {  	_ =	shalt  }
0x7f: {  	_ =	shalt  }
0x80: {  	_ =	shalt  }
0x81: {  	_ =	shalt  }
0x82: {  	_ =	shalt  }
0x83: {  	_ =	shalt  }
0x84: {  	_ =	shalt  }
0x85: {  	_ =	shalt  }
0x86: {  	_ =	shalt  }
0x87: {  	_ =	shalt  }
.Lfunc_end0:
.L_simem_size_0:
called_computation_lowered:
.L_overlay_start_0:
0x88: {  	s2 =	sld [smem:$0x3FD9]  }
0x89: {  	s3 =	sld [smem:$0x3FFE];
	_ =	sdelay $0x1  }
0x8a: {  	s1 =	srdreg.scid  }
0x8b: {  	s0 =	sand.u32 $0x1, s1  }
0x8c: {  	s18 =	sshll.u32 s0, $0xA;
	s2 =	sadd.s32 s3, s2  }
0x8d: {  	s2 =	sadd.s32 s2, s18  }
0x8e: {  	[smem:$0x3FC6] =	sst s2  }
0x8f: {  	_ = 	snop  }
0x90: {  	s2 =	sld [smem:$0x3FC9]  }
0x91: {  	s19 =	sld [smem:$0x3FC8]  }
0x92: {  	s4 =	sld [smem:$0x3FD0];
	(tm) =	ssettm $0x1  }
0x93: {  	s5 =	sld [smem:$0x3FFB];
	_ =	sdelay $0x3  }
0x94: {  	_ =	strace s5  }
0x95: {  	s5 =	sld [smem:$0x3FFC];
	_ =	sdelay $0x3  }
0x96: {  	_ =	strace s5  }
0x97: {  	s5 =	sld [smem:$0x3FFD];
	_ =	sdelay $0x3  }
0x98: {  	_ =	strace s5  }
0x99: {  	_ =	strace $0x8FFFFFFF  }
0x9a: {  	s20 =	sld [smem:$0x3FDB];
	_ =	sdelay $0x1  }
0x9b: {  	s6 =	simm.s32 $_scs_section_size  }
0x9c: {  	s7 =	simm.s32 $_size__tile_overlayer_lowered;
	s8 =	simm.s32 $_tile_overlayer_lowered  }
0x9d: {  	s23 =	simm.s32 $0x1BFF;
	s22 =	sshll.u32 s8, $0x1;
	s5 =	sadd.s32 s6, s20  }
0x9e: {  	s9 =	simm.s32 $0x0;
	s21 =	sshll.u32 s7, $0x1;
	s7 =	sadd.s32 s22, s5  }
0x9f: {  	[timem:s9], [sflag:s23] =	dma.local [hbm:s7], s21  }
0xa0: {  	_ =	swait.ge [sflag:s23], s21  }
0xa1: {  	s6 =	ssub.s32 $0x0, s21;
	[sflag:s23] =	ssyncset.done $0x0  }
0xa2: {  	[sflag:s23] =	ssyncadd.s32 s6;
	_ =	sdelay $0x1  }
0xa3: {  	s24 =	simm.s32 $0x1B8B  }
0xa4: {  	_ =	swait.ge [sflag:s24], $0x1  }
0xa5: {  	[sflag:s24] =	ssyncset.done $0x0  }
0xa6: {  	s25 =	simm.s32 $0x1B8E;
	[sflag:s24] =	ssyncadd.s32 $0xFFFFFFFF  }
0xa7: {  	s26 =	simm.s32 $execute0_lowered;
	[smem:$0x3FD2] =	sst s25  }
0xa8: {  	s6 =	sshll.u32 s26, $0x1;
	_ =	strace $0x80000046;
	[dreg:$0x1] =	wrdreg $0xFFFFFFFF  }
0xa9: {  	s28 =	simm.s32 $_size_execute0_lowered;
	s5 =	sadd.s32 s5, s6;
	[dreg:$0x0] =	wrdreg $0x0  }
0xaa: {  	s6 =	sshll.u32 s28, $0x1;
	[dreg:$0x2] =	wrdreg s5  }
0xab: {  	[dreg:$0x3] =	wrdreg s6  }
0xac: {  	[dreg:$0x4] =	wrdreg $0xC0  }
0xad: {  	_ =	task [dreg:s9], $0x5FFFF  }
0xae: {  	[dreg:$0x1] =	wrdreg $0xFFFFFFFF  }
0xaf: {  	[dreg:$0x0] =	wrdreg $0x60  }
0xb0: {  	[dreg:$0x2] =	wrdreg s2  }
0xb1: {  	[dreg:$0x3] =	wrdreg s19  }
0xb2: {  	[dreg:$0x4] =	wrdreg s4  }
0xb3: {  	[dreg:$0x5] =	wrdreg $0x9  }
0xb4: {  	_ =	task.clear_ibuf [dreg:s9], $0x6FFFF;
	_ =	strace $0x90000046  }
0xb5: {  	s29 =	simm.s32 $0x9;
	_ =	strace $0x80000048  }
0xb6: {  	_ =	swait.ge [sflag:s29], $0x1  }
0xb7: {  	[sflag:s29] =	ssyncadd.s32 $0xFFFFFFFF  }
0xb8: {  	_ =	strace $0x90000048  }
0xb9: {  	_ =	sfence  }
0xba: {  	s30 =	sld [smem:$0x0];
	_ =	sdelay $0x2  }
0xbb: {  	s31 =	sshll.u32 s1, $0xD;
	s1 =	sshrl.u32 s1, $0x2  }
0xbc: {  	s3 =	sand.u32 $0x4000, s31;
	s1 =	sadd.s32 s1, s30  }
0xbd: {  	s0 =	sor.u32 s3, s0;
	s1 =	sshll.u32 s1, $0x11  }
0xbe: {  	s0 =	sor.u32 s1, s0  }
0xbf: {  	s0 =	sadd.s32 $0x8F2B, s0  }
0xc0: {  	[sflag:s0] =	ssyncadd.remote.s32 $0x1  }
0xc1: {  	_ =	sfence.sel $0xFFFF  }
0xc2: {  	[dreg:$0x0] =	wrdreg $0xFFFFFFFF;
	(pc) =	sbr.abs _section_cstart, $3  }
0xc3: {  	[dreg:$0x1] =	wrdreg $0xFFFFFFFF  }
0xc4: {  	_ =	task.clear_ibuf [dreg:s9], $0x2FFFF;
	_ =	strace $0x9FFFFFFF  }
0xc5: {  	(tm) =	ssettm $0x7FFFFFFF  }
tec
execute0_lowered:
.L_overlay_start_1:
0x0: {  	(tag) =	ssettag $0x1  }
0x1: {  	s0 =	rddreg [dreg:$0x0]  }
0x2: {  	s1 =	rddreg [dreg:$0x1];
	s2 =	srdreg.scid  }
0x3: {  	s22 =	rddreg [dreg:$0x2];
	s7 =	stileid.u32;
	s2 =	sand.u32 $0x1, s2  }
0x4: {  	s4 =	simm.s32 $0x0;
	s3 =	sshll.u32 s7, $0x8;
	s5 =	sshll.u32 s2, $0x7  }
0x5: {  	[smem:$0x7FF] =	sst s4;
	s6 =	ssub.s32 $0x2, s2;
	s3 =	sor.u32 s5, s3  }
0x6: {  	_ =	strace $0x80000047;
	s17 =	sshrl.u32 s6, $0x1;
	s9 =	sadd.s32 s0, s3  }
0x7: {  	s19 =	ssub.s32 s6, s17;
	[dreg:$0x4] =	wrdreg s9;
	s20 =	sadd.s32 $0x6000, s9  }
0x8: {  	s18 =	sshll.u32 s3, $0x4;
	s11 =	smax.u32 s19, $0x1;
	[dreg:$0x5] =	wrdreg s20  }
0x9: {  	s6 =	sadd.s32 s22, s18;
	[dreg:$0x11] =	wrdreg s11  }
0xa: {  	s0 =	sadd.s32 $0x10000, s6;
	[dreg:$0x6] =	wrdreg s6  }
0xb: {  	s21 =	sadd.s32 $0x20000, s6;
	[dreg:$0x7] =	wrdreg s0  }
0xc: {  	s23 =	sadd.s32 $0x30000, s6;
	[dreg:$0x8] =	wrdreg s21  }
0xd: {  	s24 =	sadd.s32 $0x40000, s6;
	[dreg:$0x9] =	wrdreg s23  }
0xe: {  	s31 =	simm.s32 $0x9;
	s25 =	sadd.s32 $0x50000, s6;
	[dreg:$0xa] =	wrdreg s24  }
0xf: {  	s28 =	simm.s32 $0x6;
	s26 =	sadd.s32 $0x60000, s6;
	[dreg:$0xb] =	wrdreg s25  }
0x10: {  	s29 =	simm.s32 $0xB;
	s5 =	sadd.s32 $0x2A0000, s6;
	[dreg:$0xc] =	wrdreg s26  }
0x11: {  	s30 =	simm.s32 $0x7;
	s8 =	sadd.s32 $0x2B0000, s6;
	[dreg:$0xd] =	wrdreg s5  }
0x12: {  	s7 =	sshll.u32 s7, $0xF;
	s9 =	sadd.s32 $0x2C0000, s6;
	[dreg:$0xe] =	wrdreg s8  }
0x13: {  	s2 =	sshll.u32 s2, $0xE;
	s10 =	sadd.s32 $0x2D0000, s6;
	[dreg:$0xf] =	wrdreg s9  }
0x14: {  	s0 =	sor.u32 s2, s7;
	[dreg:$0x10] =	wrdreg s10;
	s23 =	sadd.s32 $0x2E0000, s6  }
0x15: {  	s24 =	sadd.s32 $0x2F0000, s6;
	s25 =	sadd.s32 $0x300000, s6;
	s26 =	sadd.s32 $0x310000, s6  }
0x16: {  	s10 =	simm.s32 $0x1800;
	s6 =	simm.s32 $0x80;
	s7 =	simm.s32 $0xC  }
0x17: {  	s5 =	simm.s32 $0x0;
	s12 =	sor.u32 $0x500000, s0;
	[dreg:$0x19] =	wrdreg s23  }
0x18: {  	s13 =	sor.u32 $0x480000, s0;
	s14 =	sor.u32 $0x400000, s0;
	[dreg:$0x1a] =	wrdreg s24  }
0x19: {  	s18 =	sor.u32 $0x380000, s0;
	s19 =	sor.u32 $0x680000, s0;
	[dreg:$0x1b] =	wrdreg s25  }
0x1a: {  	s20 =	sor.u32 $0x600000, s0;
	s0 =	sor.u32 $0x580000, s0;
	[dreg:$0x1c] =	wrdreg s26  }
0x1b: {  	s26 =	simm.s32 $0xA;
	s2 =	sshrl.u32 s12, $0x3;
	s15 =	sshrl.u32 s13, $0x3  }
0x1c: {  	s16 =	sshrl.u32 s14, $0x3;
	[dreg:$0x15] =	wrdreg s18;
	s2 =	sadd.s32 s2, s22  }
0x1d: {  	s3 =	sshrl.u32 s20, $0x3;
	s17 =	sadd.s32 s16, s22;
	[dreg:$0x12] =	wrdreg s2  }
0x1e: {  	s0 =	sshrl.u32 s0, $0x3;
	s21 =	sadd.s32 s3, s22;
	[dreg:$0x14] =	wrdreg s17  }
0x1f: {  	s18 =	simm.s32 $0x4;
	s2 =	sadd.s32 s15, s22;
	[dreg:$0x17] =	wrdreg s21  }
0x20: {  	s0 =	sadd.s32 s0, s22;
	[dreg:$0x13] =	wrdreg s2;
	s2 =	sshrl.u32 s19, $0x3  }
0x21: {  	[dreg:$0x18] =	wrdreg s0;
	s0 =	simm.s32 $0xD;
	s2 =	sadd.s32 s2, s22  }
0x22: {  	s19 =	simm.s32 $0xE;
	[dreg:$0x16] =	wrdreg s2;
	s2 =	simm.s32 $0x5  }
.LBB2_1:
0x23: {  	[dreg:$0x1d] =	wrdreg s5  }
0x24: {  	s3 =	rddreg [dreg:$0x4];
	s8 =	simm.s32 $0x400;
	s9 =	simm.s32 $0x8000  }
0x25: {  	[tilespmem:s4], [sflag:$0xF] =	stream.strided.gather [hbm4b:s3+s8], $0x1800, s9, s8, $0x38;
	[tilespmem:$0x1DC00] =	vst v63  }
0x26: {  	s11 =	rddreg [dreg:$0x5];
	s12 =	simm.s32 $0xF  }
0x27: {  	[tilespmem:s10], [sflag:$0xF] =	stream.linear.gather [hbm4b:s11+s4], $0x100, $0x38;
	[tilespmem:$0x1DC00] =	vst v63  }
0x28: {  	_ =	swait.ge [sflag:s12], $0x1900  }
0x29: {  	[sflag:s12] =	ssyncset.done $0x0  }
0x2a: {  	s9 =	simm.s32 $0x1C00;
	[sflag:s12] =	ssyncadd.s32 $0xFFFFE700  }
0x2b: {  	[tilespmem:s9], [sflag:$0x1] =	stream.indirect.gather [hbm4b:s1+s6], $0x80, s4, s6, $0xb8;
	[tilespmem:$0x1DC00] =	vst v63  }
0x2c: {  	s14 =	simm.s32 $0x5C00  }
0x2d: {  	[tilespmem:s14], [sflag:$0x2] =	stream.indirect.gather [hbm4b:s1+s6], $0x80, s6, s6, $0xb8;
	[tilespmem:$0x1DC00] =	vst v63  }
0x2e: {  	s13 =	simm.s32 $0x100;
	s15 =	simm.s32 $0x9C00  }
0x2f: {  	[tilespmem:s15], [sflag:$0x3] =	stream.indirect.gather [hbm4b:s1+s6], $0x80, s13, s6, $0xb8;
	[tilespmem:$0x1DC00] =	vst v63  }
0x30: {  	s16 =	simm.s32 $0x180;
	s13 =	simm.s32 $0xDC00  }
0x31: {  	[tilespmem:s13], [sflag:$0x4] =	stream.indirect.gather [hbm4b:s1+s6], $0x80, s16, s6, $0xb8;
	[tilespmem:$0x1DC00] =	vst v63  }
0x32: {  	s17 =	simm.s32 $0x200;
	s5 =	simm.s32 $0x11C00;
	s10 =	simm.s32 $0x1  }
0x33: {  	[tilespmem:s5], [sflag:$0x5] =	stream.indirect.gather [hbm4b:s1+s6], $0x80, s17, s6, $0xb8;
	[tilespmem:$0x1DC00] =	vst v63  }
0x34: {  	_ =	swait.ge [sflag:s10], $0x4000  }
0x35: {  	[sflag:s10] =	ssyncset.done $0x0  }
0x36: {  	s20 =	rddreg [dreg:$0x6];
	[sflag:s10] =	ssyncadd.s32 $0xFFFFC000  }
0x37: {  	[hbm4b:s20+s4] =	stream.linear.scatter [tilespmem:s9], [sflag:$0x8], $0x4000, $0x38;
	[tilespmem:$0x1DC00] =	vst v63  }
0x38: {  	s21 =	simm.s32 $0x280;
	s11 =	simm.s32 $0x2;
	s16 =	simm.s32 $0x15C00  }
0x39: {  	[tilespmem:s16], [sflag:$0x6] =	stream.indirect.gather [hbm4b:s1+s6], $0x80, s21, s6, $0xb8;
	[tilespmem:$0x1DC00] =	vst v63  }
0x3a: {  	_ =	swait.ge [sflag:s11], $0x4000  }
0x3b: {  	[sflag:s11] =	ssyncset.done $0x0  }
0x3c: {  	s23 =	rddreg [dreg:$0x7];
	[sflag:s11] =	ssyncadd.s32 $0xFFFFC000  }
0x3d: {  	[hbm4b:s23+s4] =	stream.linear.scatter [tilespmem:s14], [sflag:$0x9], $0x4000, $0x38;
	[tilespmem:$0x1DC00] =	vst v63  }
0x3e: {  	s24 =	simm.s32 $0x300;
	s17 =	simm.s32 $0x19C00;
	s20 =	simm.s32 $0x3  }
0x3f: {  	[tilespmem:s17], [sflag:$0x7] =	stream.indirect.gather [hbm4b:s1+s6], $0x80, s24, s6, $0xb8;
	[tilespmem:$0x1DC00] =	vst v63  }
0x40: {  	_ =	swait.ge [sflag:s20], $0x4000  }
0x41: {  	[sflag:s20] =	ssyncset.done $0x0  }
0x42: {  	s21 =	simm.s32 $0x8;
	s25 =	rddreg [dreg:$0x8];
	[sflag:s20] =	ssyncadd.s32 $0xFFFFC000  }
0x43: {  	[hbm4b:s25+s4] =	stream.linear.scatter [tilespmem:s15], [sflag:$0xA], $0x4000, $0x38;
	[tilespmem:$0x1DC00] =	vst v63  }
0x44: {  	_ =	swait.ge [sflag:s21], $0x4000  }
0x45: {  	[sflag:s21] =	ssyncset.done $0x0  }
0x46: {  	s12 =	simm.s32 $0x380;
	[sflag:s21] =	ssyncadd.s32 $0xFFFFC000  }
0x47: {  	[tilespmem:s9], [sflag:$0x1] =	stream.indirect.gather [hbm4b:s1+s6], $0x80, s12, s6, $0xb8;
	[tilespmem:$0x1DC00] =	vst v63  }
0x48: {  	_ =	swait.ge [sflag:s18], $0x4000  }
0x49: {  	[sflag:s18] =	ssyncset.done $0x0  }
0x4a: {  	s23 =	rddreg [dreg:$0x9];
	[sflag:s18] =	ssyncadd.s32 $0xFFFFC000  }
0x4b: {  	[hbm4b:s23+s4] =	stream.linear.scatter [tilespmem:s13], [sflag:$0xB], $0x4000, $0x38;
	[tilespmem:$0x1DC00] =	vst v63  }
0x4c: {  	_ =	swait.ge [sflag:s31], $0x4000  }
0x4d: {  	[sflag:s31] =	ssyncset.done $0x0  }
0x4e: {  	[sflag:s31] =	ssyncadd.s32 $0xFFFFC000  }
0x4f: {  	[tilespmem:s14], [sflag:$0x2] =	stream.indirect.gather [hbm4b:s1+s6], $0x80, s8, s6, $0xb8;
	[tilespmem:$0x1DC00] =	vst v63  }
0x50: {  	_ =	swait.ge [sflag:s2], $0x4000  }
0x51: {  	[sflag:s2] =	ssyncset.done $0x0  }
0x52: {  	s24 =	rddreg [dreg:$0xa];
	[sflag:s2] =	ssyncadd.s32 $0xFFFFC000  }
0x53: {  	[hbm4b:s24+s4] =	stream.linear.scatter [tilespmem:s5], [sflag:$0xC], $0x4000, $0x38;
	[tilespmem:$0x1DC00] =	vst v63  }
0x54: {  	_ =	swait.ge [sflag:s26], $0x4000  }
0x55: {  	[sflag:s26] =	ssyncset.done $0x0  }
0x56: {  	s25 =	simm.s32 $0x480;
	[sflag:s26] =	ssyncadd.s32 $0xFFFFC000  }
0x57: {  	[tilespmem:s15], [sflag:$0x3] =	stream.indirect.gather [hbm4b:s1+s6], $0x80, s25, s6, $0xb8;
	[tilespmem:$0x1DC00] =	vst v63  }
0x58: {  	_ =	swait.ge [sflag:s28], $0x4000  }
0x59: {  	[sflag:s28] =	ssyncset.done $0x0  }
0x5a: {  	s8 =	rddreg [dreg:$0xb];
	[sflag:s28] =	ssyncadd.s32 $0xFFFFC000  }
0x5b: {  	[hbm4b:s8+s4] =	stream.linear.scatter [tilespmem:s16], [sflag:$0xD], $0x4000, $0x38;
	[tilespmem:$0x1DC00] =	vst v63  }
0x5c: {  	_ =	swait.ge [sflag:s29], $0x4000  }
0x5d: {  	[sflag:s29] =	ssyncset.done $0x0  }
0x5e: {  	s12 =	simm.s32 $0x500;
	[sflag:s29] =	ssyncadd.s32 $0xFFFFC000  }
0x5f: {  	[tilespmem:s13], [sflag:$0x4] =	stream.indirect.gather [hbm4b:s1+s6], $0x80, s12, s6, $0xb8;
	[tilespmem:$0x1DC00] =	vst v63  }
0x60: {  	_ =	swait.ge [sflag:s30], $0x4000  }
0x61: {  	[sflag:s30] =	ssyncset.done $0x0  }
0x62: {  	s23 =	rddreg [dreg:$0xc];
	[sflag:s30] =	ssyncadd.s32 $0xFFFFC000  }
0x63: {  	[hbm4b:s23+s4] =	stream.linear.scatter [tilespmem:s17], [sflag:$0xE], $0x4000, $0x38;
	[tilespmem:$0x1DC00] =	vst v63  }
0x64: {  	_ =	swait.ge [sflag:s7], $0x4000  }
0x65: {  	[sflag:s7] =	ssyncset.done $0x0  }
0x66: {  	s24 =	simm.s32 $0x580;
	[sflag:s7] =	ssyncadd.s32 $0xFFFFC000  }
0x67: {  	[tilespmem:s5], [sflag:$0x5] =	stream.indirect.gather [hbm4b:s1+s6], $0x80, s24, s6, $0xb8;
	[tilespmem:$0x1DC00] =	vst v63  }
0x68: {  	_ =	swait.ge [sflag:s10], $0x4000  }
0x69: {  	s12 =	rddreg [dreg:$0x15]  }
0x6a: {  	[sflag:s10] =	ssyncset.done $0x0;
	s25 =	sshrl.u32 s12, $0x3  }
0x6b: {  	[sflag:s10] =	ssyncadd.s32 $0xFFFFC000;
	s3 =	sadd.s32 s22, s25  }
0x6c: {  	[hbm4b:s3+s4] =	stream.linear.scatter [tilespmem:s9], [sflag:$0x8], $0x4000, $0x38;
	[tilespmem:$0x1DC00] =	vst v63  }
0x6d: {  	_ =	swait.ge [sflag:s0], $0x4000  }
0x6e: {  	[sflag:s0] =	ssyncset.done $0x0  }
0x6f: {  	s8 =	simm.s32 $0x600;
	[sflag:s0] =	ssyncadd.s32 $0xFFFFC000  }
0x70: {  	[tilespmem:s16], [sflag:$0x6] =	stream.indirect.gather [hbm4b:s1+s6], $0x80, s8, s6, $0xb8;
	[tilespmem:$0x1DC00] =	vst v63  }
0x71: {  	_ =	swait.ge [sflag:s11], $0x4000  }
0x72: {  	[sflag:s11] =	ssyncset.done $0x0  }
0x73: {  	[sflag:s11] =	ssyncadd.s32 $0xFFFFC000;
	s11 =	rddreg [dreg:$0x14]  }
0x74: {  	[hbm4b:s11+s4] =	stream.linear.scatter [tilespmem:s14], [sflag:$0x9], $0x4000, $0x38;
	[tilespmem:$0x1DC00] =	vst v63  }
0x75: {  	_ =	swait.ge [sflag:s19], $0x4000  }
0x76: {  	[sflag:s19] =	ssyncset.done $0x0  }
0x77: {  	s10 =	simm.s32 $0x680;
	[sflag:s19] =	ssyncadd.s32 $0xFFFFC000  }
0x78: {  	[tilespmem:s17], [sflag:$0x7] =	stream.indirect.gather [hbm4b:s1+s6], $0x80, s10, s6, $0xb8;
	[tilespmem:$0x1DC00] =	vst v63  }
0x79: {  	_ =	swait.ge [sflag:s20], $0x4000  }
0x7a: {  	[sflag:s20] =	ssyncset.done $0x0  }
0x7b: {  	s10 =	rddreg [dreg:$0x13];
	[sflag:s20] =	ssyncadd.s32 $0xFFFFC000  }
0x7c: {  	[hbm4b:s10+s4] =	stream.linear.scatter [tilespmem:s15], [sflag:$0xA], $0x4000, $0x38;
	[tilespmem:$0x1DC00] =	vst v63  }
0x7d: {  	_ =	swait.ge [sflag:s21], $0x4000  }
0x7e: {  	[sflag:s21] =	ssyncset.done $0x0  }
0x7f: {  	s23 =	simm.s32 $0x700;
	[sflag:s21] =	ssyncadd.s32 $0xFFFFC000  }
0x80: {  	[tilespmem:s9], [sflag:$0x1] =	stream.indirect.gather [hbm4b:s1+s6], $0x80, s23, s6, $0xb8;
	[tilespmem:$0x1DC00] =	vst v63  }
0x81: {  	_ =	swait.ge [sflag:s18], $0x4000  }
0x82: {  	[sflag:s18] =	ssyncset.done $0x0  }
0x83: {  	s8 =	rddreg [dreg:$0x12];
	[sflag:s18] =	ssyncadd.s32 $0xFFFFC000  }
0x84: {  	[hbm4b:s8+s4] =	stream.linear.scatter [tilespmem:s13], [sflag:$0xB], $0x4000, $0x38;
	[tilespmem:$0x1DC00] =	vst v63  }
0x85: {  	_ =	swait.ge [sflag:s31], $0x4000  }
0x86: {  	[sflag:s31] =	ssyncset.done $0x0  }
0x87: {  	s24 =	simm.s32 $0x780;
	[sflag:s31] =	ssyncadd.s32 $0xFFFFC000  }
0x88: {  	[tilespmem:s14], [sflag:$0x2] =	stream.indirect.gather [hbm4b:s1+s6], $0x80, s24, s6, $0xb8;
	[tilespmem:$0x1DC00] =	vst v63  }
0x89: {  	_ =	swait.ge [sflag:s2], $0x4000  }
0x8a: {  	[sflag:s2] =	ssyncset.done $0x0  }
0x8b: {  	s25 =	rddreg [dreg:$0x18];
	[sflag:s2] =	ssyncadd.s32 $0xFFFFC000  }
0x8c: {  	[hbm4b:s25+s4] =	stream.linear.scatter [tilespmem:s5], [sflag:$0xC], $0x4000, $0x38;
	[tilespmem:$0x1DC00] =	vst v63  }
0x8d: {  	_ =	swait.ge [sflag:s26], $0x4000  }
0x8e: {  	[sflag:s26] =	ssyncset.done $0x0  }
0x8f: {  	s14 =	simm.s32 $0x800;
	[sflag:s26] =	ssyncadd.s32 $0xFFFFC000  }
0x90: {  	[tilespmem:s15], [sflag:$0x3] =	stream.indirect.gather [hbm4b:s1+s6], $0x80, s14, s6, $0xb8;
	[tilespmem:$0x1DC00] =	vst v63  }
0x91: {  	_ =	swait.ge [sflag:s28], $0x4000  }
0x92: {  	[sflag:s28] =	ssyncset.done $0x0  }
0x93: {  	s15 =	rddreg [dreg:$0x17];
	[sflag:s28] =	ssyncadd.s32 $0xFFFFC000  }
0x94: {  	[hbm4b:s15+s4] =	stream.linear.scatter [tilespmem:s16], [sflag:$0xD], $0x4000, $0x38;
	[tilespmem:$0x1DC00] =	vst v63  }
0x95: {  	s17 =	smov.u32 s22;
	s20 =	sadd.s32 $0x380000, s12;
	_ =	swait.ge [sflag:s29], $0x4000  }
0x96: {  	s12 =	smov.u32 s17;
	s21 =	simm.s32 $0xE00;
	[sflag:s29] =	ssyncset.done $0x0  }
0x97: {  	s22 =	sadd.s32 $0x70000, s25;
	s25 =	simm.s32 $0x880;
	[sflag:s29] =	ssyncadd.s32 $0xFFFFC000  }
0x98: {  	[tilespmem:s13], [sflag:$0x4] =	stream.indirect.gather [hbm4b:s1+s6], $0x80, s25, s6, $0xb8;
	[tilespmem:$0x1DC00] =	vst v63  }
0x99: {  	s23 =	sadd.s32 $0x70000, s11;
	s3 =	sadd.s32 $0x70000, s8;
	_ =	swait.ge [sflag:s30], $0x4000  }
0x9a: {  	s8 =	sadd.s32 $0x70000, s10;
	s9 =	rddreg [dreg:$0x16];
	[sflag:s30] =	ssyncset.done $0x0  }
0x9b: {  	s25 =	sadd.s32 $0x70000, s15;
	s24 =	sadd.s32 $0x70000, s9;
	[sflag:s30] =	ssyncadd.s32 $0xFFFFC000  }
.LBB2_2:
0x9c: {  	s13 =	simm.s32 $0x19C00  }
0x9d: {  	[hbm4b:s9+s4] =	stream.linear.scatter [tilespmem:s13], [sflag:$0xE], $0x4000, $0x38;
	[tilespmem:$0x1DC00] =	vst v63  }
0x9e: {  	s10 =	smov.u32 s21;
	s9 =	smov.u32 s24  }
0x9f: {  	p0 =	sne.s32 s21, $0x3800;
	s21 =	sadd.s32 $0xE00, s21;
	_ =	swait.ge [sflag:s7], $0x4000  }
0xa0: {  	s16 =	simm.s32 $0x11C00;
	s10 =	sshra.s32 s10, $0x2;
	[sflag:s7] =	ssyncset.done $0x0  }
0xa1: {  	s5 =	simm.s32 $0x1;
	s11 =	sadd.s32 $0x580, s10;
	[sflag:s7] =	ssyncadd.s32 $0xFFFFC000  }
0xa2: {  	[tilespmem:s16], [sflag:$0x5] =	stream.indirect.gather [hbm4b:s1+s6], $0x80, s11, s6, $0xb8;
	[tilespmem:$0x1DC00] =	vst v63  }
0xa3: {  	_ =	swait.ge [sflag:s5], $0x4000  }
0xa4: {  	s11 =	sshrl.u32 s20, $0x3;
	[sflag:s5] =	ssyncset.done $0x0  }
0xa5: {  	s14 =	simm.s32 $0x1C00;
	s11 =	sadd.s32 s12, s11;
	[sflag:s5] =	ssyncadd.s32 $0xFFFFC000  }
0xa6: {  	[hbm4b:s11+s4] =	stream.linear.scatter [tilespmem:s14], [sflag:$0x8], $0x4000, $0x38;
	[tilespmem:$0x1DC00] =	vst v63  }
0xa7: {  	_ =	swait.ge [sflag:s0], $0x4000  }
0xa8: {  	s17 =	simm.s32 $0x15C00;
	[sflag:s0] =	ssyncset.done $0x0  }
0xa9: {  	s5 =	simm.s32 $0x2;
	s11 =	sadd.s32 $0x600, s10;
	[sflag:s0] =	ssyncadd.s32 $0xFFFFC000  }
0xaa: {  	[tilespmem:s17], [sflag:$0x6] =	stream.indirect.gather [hbm4b:s1+s6], $0x80, s11, s6, $0xb8;
	[tilespmem:$0x1DC00] =	vst v63  }
0xab: {  	_ =	swait.ge [sflag:s5], $0x4000  }
0xac: {  	[sflag:s5] =	ssyncset.done $0x0  }
0xad: {  	s15 =	simm.s32 $0x5C00;
	[sflag:s5] =	ssyncadd.s32 $0xFFFFC000  }
0xae: {  	[hbm4b:s23+s4] =	stream.linear.scatter [tilespmem:s15], [sflag:$0x9], $0x4000, $0x38;
	[tilespmem:$0x1DC00] =	vst v63  }
0xaf: {  	_ =	swait.ge [sflag:s19], $0x4000  }
0xb0: {  	[sflag:s19] =	ssyncset.done $0x0  }
0xb1: {  	s11 =	sadd.s32 $0x680, s10;
	s5 =	simm.s32 $0x3;
	[sflag:s19] =	ssyncadd.s32 $0xFFFFC000  }
0xb2: {  	[tilespmem:s13], [sflag:$0x7] =	stream.indirect.gather [hbm4b:s1+s6], $0x80, s11, s6, $0xb8;
	[tilespmem:$0x1DC00] =	vst v63  }
0xb3: {  	_ =	swait.ge [sflag:s5], $0x4000  }
0xb4: {  	[sflag:s5] =	ssyncset.done $0x0  }
0xb5: {  	s13 =	simm.s32 $0x9C00;
	[sflag:s5] =	ssyncadd.s32 $0xFFFFC000;
	s5 =	simm.s32 $0x8  }
0xb6: {  	[hbm4b:s8+s4] =	stream.linear.scatter [tilespmem:s13], [sflag:$0xA], $0x4000, $0x38;
	[tilespmem:$0x1DC00] =	vst v63  }
0xb7: {  	_ =	swait.ge [sflag:s5], $0x4000  }
0xb8: {  	[sflag:s5] =	ssyncset.done $0x0  }
0xb9: {  	s11 =	sadd.s32 $0x700, s10;
	[sflag:s5] =	ssyncadd.s32 $0xFFFFC000  }
0xba: {  	[tilespmem:s14], [sflag:$0x1] =	stream.indirect.gather [hbm4b:s1+s6], $0x80, s11, s6, $0xb8;
	[tilespmem:$0x1DC00] =	vst v63  }
0xbb: {  	_ =	swait.ge [sflag:s18], $0x4000  }
0xbc: {  	[sflag:s18] =	ssyncset.done $0x0  }
0xbd: {  	s5 =	simm.s32 $0xDC00;
	[sflag:s18] =	ssyncadd.s32 $0xFFFFC000  }
0xbe: {  	[hbm4b:s3+s4] =	stream.linear.scatter [tilespmem:s5], [sflag:$0xB], $0x4000, $0x38;
	[tilespmem:$0x1DC00] =	vst v63  }
0xbf: {  	_ =	swait.ge [sflag:s31], $0x4000  }
0xc0: {  	[sflag:s31] =	ssyncset.done $0x0  }
0xc1: {  	s11 =	sadd.s32 $0x780, s10;
	s14 =	simm.s32 $0x5C00;
	[sflag:s31] =	ssyncadd.s32 $0xFFFFC000  }
0xc2: {  	[tilespmem:s15], [sflag:$0x2] =	stream.indirect.gather [hbm4b:s1+s6], $0x80, s11, s6, $0xb8;
	[tilespmem:$0x1DC00] =	vst v63  }
0xc3: {  	_ =	swait.ge [sflag:s2], $0x4000  }
0xc4: {  	[sflag:s2] =	ssyncset.done $0x0  }
0xc5: {  	[sflag:s2] =	ssyncadd.s32 $0xFFFFC000  }
0xc6: {  	[hbm4b:s22+s4] =	stream.linear.scatter [tilespmem:s16], [sflag:$0xC], $0x4000, $0x38;
	[tilespmem:$0x1DC00] =	vst v63  }
0xc7: {  	_ =	swait.ge [sflag:s26], $0x4000  }
0xc8: {  	[sflag:s26] =	ssyncset.done $0x0  }
0xc9: {  	s11 =	sadd.s32 $0x800, s10;
	s15 =	simm.s32 $0x9C00;
	[sflag:s26] =	ssyncadd.s32 $0xFFFFC000  }
0xca: {  	[tilespmem:s13], [sflag:$0x3] =	stream.indirect.gather [hbm4b:s1+s6], $0x80, s11, s6, $0xb8;
	[tilespmem:$0x1DC00] =	vst v63  }
0xcb: {  	_ =	swait.ge [sflag:s28], $0x4000  }
0xcc: {  	[sflag:s28] =	ssyncset.done $0x0  }
0xcd: {  	[sflag:s28] =	ssyncadd.s32 $0xFFFFC000  }
0xce: {  	[hbm4b:s25+s4] =	stream.linear.scatter [tilespmem:s17], [sflag:$0xD], $0x4000, $0x38;
	[tilespmem:$0x1DC00] =	vst v63  }
0xcf: {  	_ =	swait.ge [sflag:s29], $0x4000  }
0xd0: {  	s10 =	sadd.s32 $0x880, s10;
	s22 =	sadd.s32 $0x70000, s22;
	[sflag:s29] =	ssyncset.done $0x0  }
.Ltmp0:
0xd1: {  	s11 =	simm.s32 $0xDC00;
	[sflag:s29] =	ssyncadd.s32 $0xFFFFC000;
	(pc) =	sbr.rel @p0 .LBB2_2-.Ltmp0, $4  }
0xd2: {  	[tilespmem:s5], [sflag:$0x4] =	stream.indirect.gather [hbm4b:s1+s6], $0x80, s10, s6, $0xb8;
	[tilespmem:$0x1DC00] =	vst v63  }
0xd3: {  	s24 =	sadd.s32 $0x70000, s24;
	s25 =	sadd.s32 $0x70000, s25;
	_ =	swait.ge [sflag:s30], $0x4000  }
0xd4: {  	s20 =	sadd.s32 $0x380000, s20;
	s23 =	sadd.s32 $0x70000, s23;
	[sflag:s30] =	ssyncset.done $0x0  }
0xd5: {  	s8 =	sadd.s32 $0x70000, s8;
	s3 =	sadd.s32 $0x70000, s3;
	[sflag:s30] =	ssyncadd.s32 $0xFFFFC000  }
0xd6: {  	s16 =	simm.s32 $0x19C00  }
0xd7: {  	[hbm4b:s9+s4] =	stream.linear.scatter [tilespmem:s16], [sflag:$0xE], $0x4000, $0x38;
	[tilespmem:$0x1DC00] =	vst v63  }
0xd8: {  	_ =	swait.ge [sflag:s7], $0x4000  }
0xd9: {  	s5 =	simm.s32 $0x11C00;
	[sflag:s7] =	ssyncset.done $0x0  }
0xda: {  	s3 =	simm.s32 $0x1700;
	s9 =	simm.s32 $0x1;
	[sflag:s7] =	ssyncadd.s32 $0xFFFFC000  }
0xdb: {  	[tilespmem:s5], [sflag:$0x5] =	stream.indirect.gather [hbm4b:s1+s6], $0x80, s3, s6, $0xb8;
	[tilespmem:$0x1DC00] =	vst v63  }
0xdc: {  	_ =	swait.ge [sflag:s9], $0x4000  }
0xdd: {  	[sflag:s9] =	ssyncset.done $0x0  }
0xde: {  	s8 =	simm.s32 $0x1C00;
	s21 =	rddreg [dreg:$0xd];
	[sflag:s9] =	ssyncadd.s32 $0xFFFFC000  }
0xdf: {  	[hbm4b:s21+s4] =	stream.linear.scatter [tilespmem:s8], [sflag:$0x8], $0x4000, $0x38;
	[tilespmem:$0x1DC00] =	vst v63  }
0xe0: {  	_ =	swait.ge [sflag:s0], $0x4000  }
0xe1: {  	s13 =	simm.s32 $0x15C00;
	[sflag:s0] =	ssyncset.done $0x0  }
0xe2: {  	s22 =	simm.s32 $0x1780;
	s23 =	simm.s32 $0x2;
	[sflag:s0] =	ssyncadd.s32 $0xFFFFC000  }
0xe3: {  	[tilespmem:s13], [sflag:$0x6] =	stream.indirect.gather [hbm4b:s1+s6], $0x80, s22, s6, $0xb8;
	[tilespmem:$0x1DC00] =	vst v63  }
0xe4: {  	_ =	swait.ge [sflag:s23], $0x4000  }
0xe5: {  	[sflag:s23] =	ssyncset.done $0x0  }
0xe6: {  	s24 =	rddreg [dreg:$0xe];
	[sflag:s23] =	ssyncadd.s32 $0xFFFFC000  }
0xe7: {  	[hbm4b:s24+s4] =	stream.linear.scatter [tilespmem:s14], [sflag:$0x9], $0x4000, $0x38;
	[tilespmem:$0x1DC00] =	vst v63  }
0xe8: {  	_ =	swait.ge [sflag:s19], $0x4000  }
0xe9: {  	[sflag:s19] =	ssyncset.done $0x0  }
0xea: {  	s10 =	simm.s32 $0x1800;
	s25 =	simm.s32 $0x3;
	[sflag:s19] =	ssyncadd.s32 $0xFFFFC000  }
0xeb: {  	[tilespmem:s16], [sflag:$0x7] =	stream.indirect.gather [hbm4b:s1+s6], $0x80, s10, s6, $0xb8;
	[tilespmem:$0x1DC00] =	vst v63  }
0xec: {  	_ =	swait.ge [sflag:s25], $0x4000  }
0xed: {  	[sflag:s25] =	ssyncset.done $0x0  }
0xee: {  	s14 =	rddreg [dreg:$0xf];
	[sflag:s25] =	ssyncadd.s32 $0xFFFFC000  }
0xef: {  	[hbm4b:s14+s4] =	stream.linear.scatter [tilespmem:s15], [sflag:$0xA], $0x4000, $0x38;
	[tilespmem:$0x1DC00] =	vst v63  }
0xf0: {  	s14 =	simm.s32 $0x8  }
0xf1: {  	_ =	swait.ge [sflag:s14], $0x4000  }
0xf2: {  	[sflag:s14] =	ssyncset.done $0x0  }
0xf3: {  	s15 =	simm.s32 $0x1880;
	[sflag:s14] =	ssyncadd.s32 $0xFFFFC000  }
0xf4: {  	[tilespmem:s8], [sflag:$0x1] =	stream.indirect.gather [hbm4b:s1+s6], $0x80, s15, s6, $0xb8;
	[tilespmem:$0x1DC00] =	vst v63  }
0xf5: {  	_ =	swait.ge [sflag:s18], $0x4000  }
0xf6: {  	[sflag:s18] =	ssyncset.done $0x0  }
0xf7: {  	s17 =	rddreg [dreg:$0x10];
	[sflag:s18] =	ssyncadd.s32 $0xFFFFC000  }
0xf8: {  	[hbm4b:s17+s4] =	stream.linear.scatter [tilespmem:s11], [sflag:$0xB], $0x4000, $0x38;
	[tilespmem:$0x1DC00] =	vst v63  }
0xf9: {  	_ =	swait.ge [sflag:s2], $0x4000  }
0xfa: {  	[sflag:s2] =	ssyncset.done $0x0  }
0xfb: {  	s20 =	rddreg [dreg:$0x19];
	[sflag:s2] =	ssyncadd.s32 $0xFFFFC000  }
0xfc: {  	[hbm4b:s20+s4] =	stream.linear.scatter [tilespmem:s5], [sflag:$0xC], $0x4000, $0x38;
	[tilespmem:$0x1DC00] =	vst v63  }
0xfd: {  	_ =	swait.ge [sflag:s28], $0x4000  }
0xfe: {  	[sflag:s28] =	ssyncset.done $0x0  }
0xff: {  	s21 =	rddreg [dreg:$0x1a];
	[sflag:s28] =	ssyncadd.s32 $0xFFFFC000  }
0x100: {  	[hbm4b:s21+s4] =	stream.linear.scatter [tilespmem:s13], [sflag:$0xD], $0x4000, $0x38;
	[tilespmem:$0x1DC00] =	vst v63  }
0x101: {  	_ =	swait.ge [sflag:s30], $0x4000  }
0x102: {  	[sflag:s30] =	ssyncset.done $0x0  }
0x103: {  	s22 =	rddreg [dreg:$0x1b];
	[sflag:s30] =	ssyncadd.s32 $0xFFFFC000  }
0x104: {  	[hbm4b:s22+s4] =	stream.linear.scatter [tilespmem:s16], [sflag:$0xE], $0x4000, $0x38;
	[tilespmem:$0x1DC00] =	vst v63  }
0x105: {  	_ =	swait.ge [sflag:s9], $0x4000  }
0x106: {  	[sflag:s9] =	ssyncset.done $0x0  }
0x107: {  	s23 =	rddreg [dreg:$0x1c];
	[sflag:s9] =	ssyncadd.s32 $0xFFFFC000  }
0x108: {  	[hbm4b:s23+s4] =	stream.linear.scatter [tilespmem:s8], [sflag:$0x8], $0x4000, $0x38;
	[tilespmem:$0x1DC00] =	vst v63  }
0x109: {  	_ =	swait.ge [sflag:s31], $0x4000  }
0x10a: {  	[sflag:s31] =	ssyncset.done $0x0  }
0x10b: {  	[sflag:s31] =	ssyncadd.s32 $0xFFFFC000  }
0x10c: {  	_ =	swait.ge [sflag:s26], $0x4000  }
0x10d: {  	[sflag:s26] =	ssyncset.done $0x0  }
0x10e: {  	[sflag:s26] =	ssyncadd.s32 $0xFFFFC000  }
0x10f: {  	_ =	swait.ge [sflag:s29], $0x4000  }
0x110: {  	[sflag:s29] =	ssyncset.done $0x0  }
0x111: {  	[sflag:s29] =	ssyncadd.s32 $0xFFFFC000  }
0x112: {  	_ =	swait.ge [sflag:s7], $0x4000  }
0x113: {  	[sflag:s7] =	ssyncset.done $0x0  }
0x114: {  	[sflag:s7] =	ssyncadd.s32 $0xFFFFC000  }
0x115: {  	_ =	swait.ge [sflag:s0], $0x4000  }
0x116: {  	[sflag:s0] =	ssyncset.done $0x0  }
0x117: {  	[sflag:s0] =	ssyncadd.s32 $0xFFFFC000  }
0x118: {  	_ =	swait.ge [sflag:s19], $0x4000  }
0x119: {  	[sflag:s19] =	ssyncset.done $0x0  }
0x11a: {  	[sflag:s19] =	ssyncadd.s32 $0xFFFFC000  }
0x11b: {  	_ =	swait.ge [sflag:s14], $0x4000  }
0x11c: {  	s24 =	rddreg [dreg:$0x1d]  }
0x11d: {  	s25 =	rddreg [dreg:$0x11];
	s5 =	sadd.s32 $0x1, s24  }
0x11e: {  	p0 =	sne.s32 s5, s25  }
.Ltmp1:
0x11f: {  	_ = 	snop;
	(pc) =	sbr.rel @p0 .LBB2_1-.Ltmp1, $3  }
0x120: {  	_ =	sdelay $0x1  }
0x121: {  	[sflag:s14] =	ssyncset.done $0x0  }
0x122: {  	s22 =	smov.u32 s12;
	[sflag:s14] =	ssyncadd.s32 $0xFFFFC000  }
0x123: {  	_ =	sfence.sel $0x180000  }
0x124: {  	[bflag:$0x0] =	sbarrier.arrive $0xFFFF  }
0x125: {  	_ =	strace $0x90000047  }
0x126: {  	s0 =	stileid.u32;
	[bflag:$0x2] =	sbarrier.arrive $0xFFFF  }
0x127: {  	p0 =	sne.s32 s0, $0x0;
	s0 =	rddreg [dreg:$0x3]  }
0x128: {  	s0 =	sadd.s32 @!p0 $0x100000, s0  }
0x129: {  	[sflag:s0] =	ssyncadd.tile.s32 @!p0 $0x1;
	_ =	shalt  }
.Lfunc_end2:
_tile_overlayer_lowered:
.L_overlay_start_2:
0x12a: {  	(tag) =	ssettag $0x2  }
0x12b: {  	s0 =	rddreg [dreg:$0x0];
	s2 =	stileid.u32  }
0x12c: {  	s1 =	rddreg [dreg:$0x1];
	p0 =	sne.s32 s2, $0x0  }
0x12d: {  	s3 =	rddreg [dreg:$0x2];
	[bflag:$0x3] =	sbarrier.arrive $0xFFFF;
	s2 =	simm.s32 @!p0 $0x1C0F  }
0x12e: {  	[timem:s3], [sflag:s2] =	dma.local @!p0 [hbm:s0], s1  }
0x12f: {  	s0 =	simm.s32 @!p0 $0xF  }
0x130: {  	_ =	swait.ge @!p0 [sflag:s0], s1  }
0x131: {  	s1 =	ssub.s32 @!p0 $0x0, s1;
	[sflag:s0] =	ssyncset.done @!p0 $0x0  }
0x132: {  	[sflag:s0] =	ssyncadd.s32 @!p0 s1  }
0x133: {  	[bflag:$0x3] =	sbarrier.arrive $0xFFFF  }
0x134: {  	_ =	shalt  }

</sc_bundles>
